<compile_context>
chip_gen: v7x
topology: tpu7x:2x2x1
jax: 0.10.2.dev20260603
libtpu: 0.0.44.dev20260713+nightly
codegen_flags: <defaults>
</compile_context>

<pallas_src>
import functools

import jax
import jax.numpy as jnp
from jax import lax
from jax.experimental import pallas as pl
from jax.experimental.pallas import tpu as pltpu
from jax.experimental.pallas import tpu_sc as plsc

N = 64
K = 64
B = 32
P = 128
NN = N * N
CBLK = 512
J = NN // CBLK
_L = 16


def _wg_ef_body(w_ref, g_ref, wg_ref, a_ref):
    w = w_ref[...]
    w2 = (w * w).astype(jnp.bfloat16)
    wg = jnp.dot(w2, g_ref[...].astype(jnp.bfloat16),
                 preferred_element_type=jnp.float32)
    wg_ref[...] = wg
    ef3 = jnp.exp(-wg).reshape(K, CBLK // N, N)
    a_ref[...] = jnp.transpose(ef3, (1, 0, 2)).reshape(CBLK // N, K * N)


def _seg_sc_body(x_hbm, mask_hbm, xi_hbm, s_hbm, x_v, acc_v, mask_s, xi_s):
    b = lax.axis_index("s") * 2 + lax.axis_index("c")
    pltpu.sync_copy(x_hbm.at[b], x_v)
    pltpu.sync_copy(mask_hbm.at[b], mask_s)
    pltpu.sync_copy(xi_hbm.at[b], xi_s)

    zeros = jnp.zeros((_L,), jnp.float32)

    def zero_body(i, _):
        for u in range(8):
            acc_v[pl.ds(i * 8 * _L + u * _L, _L)] = zeros
        return 0
    lax.fori_loop(0, K * N // (8 * _L), zero_body, 0)

    def chunk_body(ch, _):
        mvec = mask_s[pl.ds(ch * _L, _L)]
        xvec = xi_s[pl.ds(ch * _L, _L)] * jnp.float32(0.1)
        for j in range(_L):
            base = mvec[j] * N
            xi_b = xvec[j]
            tok = (ch * _L + j) * N
            for c in range(N // _L):
                col = x_v[pl.ds(tok + c * _L, _L)]
                plsc.addupdate(acc_v.at[pl.ds(base + c * _L, _L)], col - xi_b)
        return 0
    lax.fori_loop(0, P // _L, chunk_body, 0)

    pltpu.sync_copy(acc_v, s_hbm.at[b])


_seg_sc = functools.partial(
    pl.kernel,
    out_type=jax.ShapeDtypeStruct((B, K * N), jnp.float32),
    mesh=plsc.VectorSubcoreMesh(core_axis_name="c", subcore_axis_name="s"),
    scratch_types=[
        pltpu.VMEM((N * P,), jnp.float32),
        pltpu.VMEM((K * N,), jnp.float32),
        pltpu.VMEM((P,), jnp.int32),
        pltpu.VMEM((P,), jnp.float32),
    ],
)(_seg_sc_body)


def _z_body(s_ref, a_ref, y_ref, z_ref):
    z_ref[...] = (lax.dot_general(s_ref[...], a_ref[...],
                                  (((1,), (1,)), ((), ())),
                                  preferred_element_type=jnp.float32)
                  + 0.1 * y_ref[...])


def kernel(x, x_mask, x_i, y_i, weights, g):
    y2 = y_i[:, :, 0]

    wg, a = pl.pallas_call(
        _wg_ef_body,
        grid=(J,),
        in_specs=[pl.BlockSpec((K, NN), lambda j: (0, 0)),
                  pl.BlockSpec((NN, CBLK), lambda j: (0, j))],
        out_specs=[pl.BlockSpec((K, CBLK), lambda j: (0, j)),
                   pl.BlockSpec((CBLK // N, K * N), lambda j: (j, 0))],
        out_shape=[jax.ShapeDtypeStruct((K, NN), jnp.float32),
                   jax.ShapeDtypeStruct((N, K * N), jnp.float32)],
    )(weights, g)

    xt = x.transpose(0, 2, 1).reshape(B, P * N)
    sflat = _seg_sc(xt, x_mask.astype(jnp.int32), x_i)

    z = pl.pallas_call(
        _z_body,
        out_shape=jax.ShapeDtypeStruct((B, N), jnp.float32),
    )(sflat, a, y2)
    return (z, wg)

# --- scband reference (transcript-rebuilt; emitter-appended) ---
"""Pipeline reference for scband-model-6313601925644 (READ-ONLY COPY).

The authoritative reference and input builder live on the scoring server;
editing this copy changes nothing except your own understanding.
"""

import jax, jax.numpy as jnp
import numpy as np

N = 64
K = 64
B = 32
P = 128


def setup_inputs(seed: int = 0) -> dict:
    key = jax.random.key(seed)
    ks = jax.random.split(key, 6)
    x = jax.random.normal(ks[0], (B, N, P), dtype=jnp.float32)
    x_mask = jax.random.randint(ks[1], (B, P), 0, K)
    x_i = jax.random.normal(ks[2], (B, P), dtype=jnp.float32)
    y_i = jax.random.normal(ks[3], (B, N, 1), dtype=jnp.float32)
    # learned parameter: xavier_uniform([K, N*N])
    limit = float(np.sqrt(6.0 / (K + N * N)))
    weights = jax.random.uniform(ks[4], (K, N * N), dtype=jnp.float32, minval=-limit, maxval=limit)
    # fixed (requires_grad=False) basis-mixing matrix g: [N*N, N*N]
    g = jax.random.uniform(ks[5], (N * N, N * N), dtype=jnp.float32)
    return {"x": x, "x_mask": x_mask, "x_i": x_i, "y_i": y_i, "weights": weights, "g": g}


def reference(x, x_mask, x_i, y_i, weights, g):
    # wg = (weights ** 2) @ g : [K, N*N]
    wg = jnp.matmul(weights ** 2, g)
    # mu_basis
    x_i_b = 0.1 * x_i            # [B, P]
    y_i_b = 0.1 * y_i            # [B, N, 1]
    # xs[b, :, i] = x[b, :, i] - x_i_b[b, i]
    xs = x - x_i_b[:, None, :]   # [B, N, P]
    # route: for each (b, i), pick expert row wg[x_mask[b, i]]
    W = jnp.take(wg, x_mask, axis=0)          # [B, P, N*N]
    ef = jnp.exp(-W).reshape(B, P, N, N)      # [B, P, N, N]
    # z[b] = sum_i exp(-f_{b,i}) @ xs[b, :, i]
    z = jnp.einsum('bpnm,bmp->bn', ef, xs)    # [B, N]
    Z = z + y_i_b[:, :, 0]                    # [B, N]
    return (Z, wg)

if __name__ == "__main__":
    import jax
    _d = setup_inputs()
    print(jax.jit(kernel)(*tuple(_d.values())))

</pallas_src>

<mosaic_0001>
#map = affine_map<(d0, d1) -> (0, 0)>
module attributes {stable_mosaic.version = 14 : i64} {
  func.func @_seg_sc_body(%arg0: i32, %arg1: i32, %arg2: memref<32x8192xf32, #tpu.memory_space<hbm>>, %arg3: memref<32x128xi32, #tpu.memory_space<hbm>>, %arg4: memref<32x128xf32, #tpu.memory_space<hbm>>, %arg5: memref<32x4096xf32, #tpu.memory_space<hbm>>, %arg6: memref<8192xf32, #tpu.memory_space<vmem>>, %arg7: memref<4096xf32, #tpu.memory_space<vmem>>, %arg8: memref<128xi32, #tpu.memory_space<vmem>>, %arg9: memref<128xf32, #tpu.memory_space<vmem>>) attributes {dimension_semantics = [#tpu.dimension_semantics<core_parallel>, #tpu.dimension_semantics<subcore_parallel>], iteration_bounds = array<i64: 2, 16>, scalar_prefetch = 0 : i64, scratch_operands = 4 : i64, tpu.core_type = #tpu.core_type<sc_vector_subcore>, window_params = [{transform_indices = #map}, {transform_indices = #map}, {transform_indices = #map}, {transform_indices = #map}]} {
    %mul3A = arith.constant 2 : i32
    %mul3A_0 = arith.muli %arg1, %mul3A : i32
    %add3A = arith.addi %mul3A_0, %arg0 : i32
    "tpu.region"() ({
      %run_scoped3A = tpu.sem_alloc : memref<!tpu.dma_semaphore, #tpu.memory_space<semaphore_mem>>
      %dma_start3A = arith.constant 0 : i32
      %dma_start3A_15 = tpu.memref_slice %arg2[%add3A, %dma_start3A] : memref<32x8192xf32, #tpu.memory_space<hbm>> -> memref<1x8192xf32, #tpu.memory_space<hbm>>
      %dma_start3A_16 = tpu.memref_squeeze %dma_start3A_15 : memref<1x8192xf32, #tpu.memory_space<hbm>> -> memref<8192xf32, #tpu.memory_space<hbm>>
      %dma_start3A_17 = arith.constant 0 : i32
      %dma_start3A_18 = tpu.memref_slice %arg2[%add3A, %dma_start3A_17] : memref<32x8192xf32, #tpu.memory_space<hbm>> -> memref<1x8192xf32, #tpu.memory_space<hbm>>
      %dma_start3A_19 = tpu.memref_squeeze %dma_start3A_18 : memref<1x8192xf32, #tpu.memory_space<hbm>> -> memref<8192xf32, #tpu.memory_space<hbm>>
      tpu.enqueue_dma source(%dma_start3A_19 : memref<8192xf32, #tpu.memory_space<hbm>>) target(%arg6 : memref<8192xf32, #tpu.memory_space<vmem>>) target_semaphore(%run_scoped3A : memref<!tpu.dma_semaphore, #tpu.memory_space<semaphore_mem>>)
      %dma_wait3A = arith.constant 0 : i32
      %dma_wait3A_20 = tpu.memref_slice %arg2[%add3A, %dma_wait3A] : memref<32x8192xf32, #tpu.memory_space<hbm>> -> memref<1x8192xf32, #tpu.memory_space<hbm>>
      %dma_wait3A_21 = tpu.memref_squeeze %dma_wait3A_20 : memref<1x8192xf32, #tpu.memory_space<hbm>> -> memref<8192xf32, #tpu.memory_space<hbm>>
      %dma_wait3A_22 = arith.constant 0 : i32
      %dma_wait3A_23 = tpu.memref_slice %arg2[%add3A, %dma_wait3A_22] : memref<32x8192xf32, #tpu.memory_space<hbm>> -> memref<1x8192xf32, #tpu.memory_space<hbm>>
      %dma_wait3A_24 = tpu.memref_squeeze %dma_wait3A_23 : memref<1x8192xf32, #tpu.memory_space<hbm>> -> memref<8192xf32, #tpu.memory_space<hbm>>
      tpu.wait_dma2 semaphore(%run_scoped3A : memref<!tpu.dma_semaphore, #tpu.memory_space<semaphore_mem>>) src(%dma_wait3A_24 : memref<8192xf32, #tpu.memory_space<hbm>>) dst(%arg6 : memref<8192xf32, #tpu.memory_space<vmem>>)
      tpu.yield
    }) : () -> ()
    "tpu.region"() ({
      %run_scoped3A = tpu.sem_alloc : memref<!tpu.dma_semaphore, #tpu.memory_space<semaphore_mem>>
      %dma_start3A = arith.constant 0 : i32
      %dma_start3A_15 = tpu.memref_slice %arg3[%add3A, %dma_start3A] : memref<32x128xi32, #tpu.memory_space<hbm>> -> memref<1x128xi32, #tpu.memory_space<hbm>>
      %dma_start3A_16 = tpu.memref_squeeze %dma_start3A_15 : memref<1x128xi32, #tpu.memory_space<hbm>> -> memref<128xi32, #tpu.memory_space<hbm>>
      %dma_start3A_17 = arith.constant 0 : i32
      %dma_start3A_18 = tpu.memref_slice %arg3[%add3A, %dma_start3A_17] : memref<32x128xi32, #tpu.memory_space<hbm>> -> memref<1x128xi32, #tpu.memory_space<hbm>>
      %dma_start3A_19 = tpu.memref_squeeze %dma_start3A_18 : memref<1x128xi32, #tpu.memory_space<hbm>> -> memref<128xi32, #tpu.memory_space<hbm>>
      tpu.enqueue_dma source(%dma_start3A_19 : memref<128xi32, #tpu.memory_space<hbm>>) target(%arg8 : memref<128xi32, #tpu.memory_space<vmem>>) target_semaphore(%run_scoped3A : memref<!tpu.dma_semaphore, #tpu.memory_space<semaphore_mem>>)
      %dma_wait3A = arith.constant 0 : i32
      %dma_wait3A_20 = tpu.memref_slice %arg3[%add3A, %dma_wait3A] : memref<32x128xi32, #tpu.memory_space<hbm>> -> memref<1x128xi32, #tpu.memory_space<hbm>>
      %dma_wait3A_21 = tpu.memref_squeeze %dma_wait3A_20 : memref<1x128xi32, #tpu.memory_space<hbm>> -> memref<128xi32, #tpu.memory_space<hbm>>
      %dma_wait3A_22 = arith.constant 0 : i32
      %dma_wait3A_23 = tpu.memref_slice %arg3[%add3A, %dma_wait3A_22] : memref<32x128xi32, #tpu.memory_space<hbm>> -> memref<1x128xi32, #tpu.memory_space<hbm>>
      %dma_wait3A_24 = tpu.memref_squeeze %dma_wait3A_23 : memref<1x128xi32, #tpu.memory_space<hbm>> -> memref<128xi32, #tpu.memory_space<hbm>>
      tpu.wait_dma2 semaphore(%run_scoped3A : memref<!tpu.dma_semaphore, #tpu.memory_space<semaphore_mem>>) src(%dma_wait3A_24 : memref<128xi32, #tpu.memory_space<hbm>>) dst(%arg8 : memref<128xi32, #tpu.memory_space<vmem>>)
      tpu.yield
    }) : () -> ()
    "tpu.region"() ({
      %run_scoped3A = tpu.sem_alloc : memref<!tpu.dma_semaphore, #tpu.memory_space<semaphore_mem>>
      %dma_start3A = arith.constant 0 : i32
      %dma_start3A_15 = tpu.memref_slice %arg4[%add3A, %dma_start3A] : memref<32x128xf32, #tpu.memory_space<hbm>> -> memref<1x128xf32, #tpu.memory_space<hbm>>
      %dma_start3A_16 = tpu.memref_squeeze %dma_start3A_15 : memref<1x128xf32, #tpu.memory_space<hbm>> -> memref<128xf32, #tpu.memory_space<hbm>>
      %dma_start3A_17 = arith.constant 0 : i32
      %dma_start3A_18 = tpu.memref_slice %arg4[%add3A, %dma_start3A_17] : memref<32x128xf32, #tpu.memory_space<hbm>> -> memref<1x128xf32, #tpu.memory_space<hbm>>
      %dma_start3A_19 = tpu.memref_squeeze %dma_start3A_18 : memref<1x128xf32, #tpu.memory_space<hbm>> -> memref<128xf32, #tpu.memory_space<hbm>>
      tpu.enqueue_dma source(%dma_start3A_19 : memref<128xf32, #tpu.memory_space<hbm>>) target(%arg9 : memref<128xf32, #tpu.memory_space<vmem>>) target_semaphore(%run_scoped3A : memref<!tpu.dma_semaphore, #tpu.memory_space<semaphore_mem>>)
      %dma_wait3A = arith.constant 0 : i32
      %dma_wait3A_20 = tpu.memref_slice %arg4[%add3A, %dma_wait3A] : memref<32x128xf32, #tpu.memory_space<hbm>> -> memref<1x128xf32, #tpu.memory_space<hbm>>
      %dma_wait3A_21 = tpu.memref_squeeze %dma_wait3A_20 : memref<1x128xf32, #tpu.memory_space<hbm>> -> memref<128xf32, #tpu.memory_space<hbm>>
      %dma_wait3A_22 = arith.constant 0 : i32
      %dma_wait3A_23 = tpu.memref_slice %arg4[%add3A, %dma_wait3A_22] : memref<32x128xf32, #tpu.memory_space<hbm>> -> memref<1x128xf32, #tpu.memory_space<hbm>>
      %dma_wait3A_24 = tpu.memref_squeeze %dma_wait3A_23 : memref<1x128xf32, #tpu.memory_space<hbm>> -> memref<128xf32, #tpu.memory_space<hbm>>
      tpu.wait_dma2 semaphore(%run_scoped3A : memref<!tpu.dma_semaphore, #tpu.memory_space<semaphore_mem>>) src(%dma_wait3A_24 : memref<128xf32, #tpu.memory_space<hbm>>) dst(%arg9 : memref<128xf32, #tpu.memory_space<vmem>>)
      tpu.yield
    }) : () -> ()
    %broadcast_in_dim3A = arith.constant 0.000000e+00 : f32
    %broadcast_in_dim3A_1 = vector.broadcast %broadcast_in_dim3A : f32 to vector<16xf32>
    %scan3A = arith.constant 0 : i32
    %scan3A_2 = arith.constant 0 : i32
    %scan3A_3 = arith.constant 32 : i32
    %scan3A_4 = arith.addi %scan3A_2, %scan3A_3 : i32
    %scan3A_5 = arith.constant 1 : i32
    %scan3A_6 = scf.for %scan3A_15 = %scan3A_2 to %scan3A_4 step %scan3A_5 iter_args(%scan3A_16 = %scan3A) -> (i32)  : i32 {
      %mul3A_17 = arith.constant 8 : i32
      %mul3A_18 = arith.muli %scan3A_15, %mul3A_17 : i32
      %mul3A_19 = arith.constant 16 : i32
      %mul3A_20 = arith.muli %mul3A_18, %mul3A_19 : i32
      %add3A_21 = arith.constant 0 : i32
      %add3A_22 = arith.addi %mul3A_20, %add3A_21 : i32
      %swap3A = arith.index_cast %add3A_22 : i32 to index
      %swap3A_23 = tpu.vector_load %arg7[%swap3A] {strides = array<i32>} : memref<4096xf32, #tpu.memory_space<vmem>>, vector<16xf32>,
      %swap3A_24 = vector.shape_cast %swap3A_23 : vector<16xf32> to vector<16xf32>
      %swap3A_25 = vector.shape_cast %broadcast_in_dim3A_1 : vector<16xf32> to vector<16xf32>
      tpu.vector_store %arg7[%swap3A], %swap3A_25 {strides = array<i32>} : memref<4096xf32, #tpu.memory_space<vmem>>, vector<16xf32>,
      %mul3A_26 = arith.constant 8 : i32
      %mul3A_27 = arith.muli %scan3A_15, %mul3A_26 : i32
      %mul3A_28 = arith.constant 16 : i32
      %mul3A_29 = arith.muli %mul3A_27, %mul3A_28 : i32
      %add3A_30 = arith.constant 16 : i32
      %add3A_31 = arith.addi %mul3A_29, %add3A_30 : i32
      %swap3A_32 = arith.index_cast %add3A_31 : i32 to index
      %swap3A_33 = tpu.vector_load %arg7[%swap3A_32] {strides = array<i32>} : memref<4096xf32, #tpu.memory_space<vmem>>, vector<16xf32>,
      %swap3A_34 = vector.shape_cast %swap3A_33 : vector<16xf32> to vector<16xf32>
      %swap3A_35 = vector.shape_cast %broadcast_in_dim3A_1 : vector<16xf32> to vector<16xf32>
      tpu.vector_store %arg7[%swap3A_32], %swap3A_35 {strides = array<i32>} : memref<4096xf32, #tpu.memory_space<vmem>>, vector<16xf32>,
      %mul3A_36 = arith.constant 8 : i32
      %mul3A_37 = arith.muli %scan3A_15, %mul3A_36 : i32
      %mul3A_38 = arith.constant 16 : i32
      %mul3A_39 = arith.muli %mul3A_37, %mul3A_38 : i32
      %add3A_40 = arith.constant 32 : i32
      %add3A_41 = arith.addi %mul3A_39, %add3A_40 : i32
      %swap3A_42 = arith.index_cast %add3A_41 : i32 to index
      %swap3A_43 = tpu.vector_load %arg7[%swap3A_42] {strides = array<i32>} : memref<4096xf32, #tpu.memory_space<vmem>>, vector<16xf32>,
      %swap3A_44 = vector.shape_cast %swap3A_43 : vector<16xf32> to vector<16xf32>
      %swap3A_45 = vector.shape_cast %broadcast_in_dim3A_1 : vector<16xf32> to vector<16xf32>
      tpu.vector_store %arg7[%swap3A_42], %swap3A_45 {strides = array<i32>} : memref<4096xf32, #tpu.memory_space<vmem>>, vector<16xf32>,
      %mul3A_46 = arith.constant 8 : i32
      %mul3A_47 = arith.muli %scan3A_15, %mul3A_46 : i32
      %mul3A_48 = arith.constant 16 : i32
      %mul3A_49 = arith.muli %mul3A_47, %mul3A_48 : i32
      %add3A_50 = arith.constant 48 : i32
      %add3A_51 = arith.addi %mul3A_49, %add3A_50 : i32
      %swap3A_52 = arith.index_cast %add3A_51 : i32 to index
      %swap3A_53 = tpu.vector_load %arg7[%swap3A_52] {strides = array<i32>} : memref<4096xf32, #tpu.memory_space<vmem>>, vector<16xf32>,
      %swap3A_54 = vector.shape_cast %swap3A_53 : vector<16xf32> to vector<16xf32>
      %swap3A_55 = vector.shape_cast %broadcast_in_dim3A_1 : vector<16xf32> to vector<16xf32>
      tpu.vector_store %arg7[%swap3A_52], %swap3A_55 {strides = array<i32>} : memref<4096xf32, #tpu.memory_space<vmem>>, vector<16xf32>,
      %mul3A_56 = arith.constant 8 : i32
      %mul3A_57 = arith.muli %scan3A_15, %mul3A_56 : i32
      %mul3A_58 = arith.constant 16 : i32
      %mul3A_59 = arith.muli %mul3A_57, %mul3A_58 : i32
      %add3A_60 = arith.constant 64 : i32
      %add3A_61 = arith.addi %mul3A_59, %add3A_60 : i32
      %swap3A_62 = arith.index_cast %add3A_61 : i32 to index
      %swap3A_63 = tpu.vector_load %arg7[%swap3A_62] {strides = array<i32>} : memref<4096xf32, #tpu.memory_space<vmem>>, vector<16xf32>,
      %swap3A_64 = vector.shape_cast %swap3A_63 : vector<16xf32> to vector<16xf32>
      %swap3A_65 = vector.shape_cast %broadcast_in_dim3A_1 : vector<16xf32> to vector<16xf32>
      tpu.vector_store %arg7[%swap3A_62], %swap3A_65 {strides = array<i32>} : memref<4096xf32, #tpu.memory_space<vmem>>, vector<16xf32>,
      %mul3A_66 = arith.constant 8 : i32
      %mul3A_67 = arith.muli %scan3A_15, %mul3A_66 : i32
      %mul3A_68 = arith.constant 16 : i32
      %mul3A_69 = arith.muli %mul3A_67, %mul3A_68 : i32
      %add3A_70 = arith.constant 80 : i32
      %add3A_71 = arith.addi %mul3A_69, %add3A_70 : i32
      %swap3A_72 = arith.index_cast %add3A_71 : i32 to index
      %swap3A_73 = tpu.vector_load %arg7[%swap3A_72] {strides = array<i32>} : memref<4096xf32, #tpu.memory_space<vmem>>, vector<16xf32>,
      %swap3A_74 = vector.shape_cast %swap3A_73 : vector<16xf32> to vector<16xf32>
      %swap3A_75 = vector.shape_cast %broadcast_in_dim3A_1 : vector<16xf32> to vector<16xf32>
      tpu.vector_store %arg7[%swap3A_72], %swap3A_75 {strides = array<i32>} : memref<4096xf32, #tpu.memory_space<vmem>>, vector<16xf32>,
      %mul3A_76 = arith.constant 8 : i32
      %mul3A_77 = arith.muli %scan3A_15, %mul3A_76 : i32
      %mul3A_78 = arith.constant 16 : i32
      %mul3A_79 = arith.muli %mul3A_77, %mul3A_78 : i32
      %add3A_80 = arith.constant 96 : i32
      %add3A_81 = arith.addi %mul3A_79, %add3A_80 : i32
      %swap3A_82 = arith.index_cast %add3A_81 : i32 to index
      %swap3A_83 = tpu.vector_load %arg7[%swap3A_82] {strides = array<i32>} : memref<4096xf32, #tpu.memory_space<vmem>>, vector<16xf32>,
      %swap3A_84 = vector.shape_cast %swap3A_83 : vector<16xf32> to vector<16xf32>
      %swap3A_85 = vector.shape_cast %broadcast_in_dim3A_1 : vector<16xf32> to vector<16xf32>
      tpu.vector_store %arg7[%swap3A_82], %swap3A_85 {strides = array<i32>} : memref<4096xf32, #tpu.memory_space<vmem>>, vector<16xf32>,
      %mul3A_86 = arith.constant 8 : i32
      %mul3A_87 = arith.muli %scan3A_15, %mul3A_86 : i32
      %mul3A_88 = arith.constant 16 : i32
      %mul3A_89 = arith.muli %mul3A_87, %mul3A_88 : i32
      %add3A_90 = arith.constant 112 : i32
      %add3A_91 = arith.addi %mul3A_89, %add3A_90 : i32
      %swap3A_92 = arith.index_cast %add3A_91 : i32 to index
      %swap3A_93 = tpu.vector_load %arg7[%swap3A_92] {strides = array<i32>} : memref<4096xf32, #tpu.memory_space<vmem>>, vector<16xf32>,
      %swap3A_94 = vector.shape_cast %swap3A_93 : vector<16xf32> to vector<16xf32>
      %swap3A_95 = vector.shape_cast %broadcast_in_dim3A_1 : vector<16xf32> to vector<16xf32>
      tpu.vector_store %arg7[%swap3A_92], %swap3A_95 {strides = array<i32>} : memref<4096xf32, #tpu.memory_space<vmem>>, vector<16xf32>,
      %scan3A_96 = arith.constant 0 : i32
      scf.yield %scan3A_96 : i32
    }
    %scan3A_7 = arith.constant 32 : i32
    %scan3A_8 = arith.constant 0 : i32
    %scan3A_9 = arith.constant 0 : i32
    %scan3A_10 = arith.constant 8 : i32
    %scan3A_11 = arith.addi %scan3A_9, %scan3A_10 : i32
    %scan3A_12 = arith.constant 1 : i32
    %scan3A_13 = scf.for %scan3A_15 = %scan3A_9 to %scan3A_11 step %scan3A_12 iter_args(%scan3A_16 = %scan3A_8) -> (i32)  : i32 {
      %mul3A_17 = arith.constant 16 : i32
      %mul3A_18 = arith.muli %scan3A_15, %mul3A_17 : i32
      %get3A = arith.index_cast %mul3A_18 : i32 to index
      %get3A_19 = tpu.vector_load %arg8[%get3A] {strides = array<i32>} : memref<128xi32, #tpu.memory_space<vmem>>, vector<16xi32>,
      %get3A_20 = vector.shape_cast %get3A_19 : vector<16xi32> to vector<16xi32>
      %mul3A_21 = arith.constant 16 : i32
      %mul3A_22 = arith.muli %scan3A_15, %mul3A_21 : i32
      %get3A_23 = arith.index_cast %mul3A_22 : i32 to index
      %get3A_24 = tpu.vector_load %arg9[%get3A_23] {strides = array<i32>} : memref<128xf32, #tpu.memory_space<vmem>>, vector<16xf32>,
      %get3A_25 = vector.shape_cast %get3A_24 : vector<16xf32> to vector<16xf32>
      %mul3A_26 = arith.constant 1.000000e-01 : f32
      %mul3A_27 = vector.broadcast %mul3A_26 : f32 to vector<16xf32>
      %mul3A_28 = arith.mulf %get3A_25, %mul3A_27 : vector<16xf32>
      %slice3A = vector.extract_strided_slice %get3A_20 {offsets = [0], sizes = [1], strides = [1]} : vector<16xi32> to vector<1xi32>
      %squeeze3A = vector.extract %slice3A[0] : i32 from vector<1xi32>
      %mul3A_29 = arith.constant 64 : i32
      %mul3A_30 = arith.muli %squeeze3A, %mul3A_29 : i32
      %slice3A_31 = vector.extract_strided_slice %mul3A_28 {offsets = [0], sizes = [1], strides = [1]} : vector<16xf32> to vector<1xf32>
      %squeeze3A_32 = vector.extract %slice3A_31[0] : f32 from vector<1xf32>
      %mul3A_33 = arith.constant 16 : i32
      %mul3A_34 = arith.muli %scan3A_15, %mul3A_33 : i32
      %add3A_35 = arith.constant 0 : i32
      %add3A_36 = arith.addi %mul3A_34, %add3A_35 : i32
      %mul3A_37 = arith.constant 64 : i32
      %mul3A_38 = arith.muli %add3A_36, %mul3A_37 : i32
      %add3A_39 = arith.constant 0 : i32
      %add3A_40 = arith.addi %mul3A_38, %add3A_39 : i32
      %get3A_41 = arith.index_cast %add3A_40 : i32 to index
      %get3A_42 = tpu.vector_load %arg6[%get3A_41] {strides = array<i32>} : memref<8192xf32, #tpu.memory_space<vmem>>, vector<16xf32>,
      %get3A_43 = vector.shape_cast %get3A_42 : vector<16xf32> to vector<16xf32>
      %add3A_44 = arith.constant 0 : i32
      %add3A_45 = arith.addi %mul3A_30, %add3A_44 : i32
      %sub3A = vector.broadcast %squeeze3A_32 : f32 to vector<16xf32>
      %sub3A_46 = arith.subf %get3A_43, %sub3A : vector<16xf32>
      %swap3A = arith.index_cast %add3A_45 : i32 to index
      %swap3A_47 = tpu.vector_load %arg7[%swap3A] {strides = array<i32>} : memref<4096xf32, #tpu.memory_space<vmem>>, vector<16xf32>,
      %swap3A_48 = vector.shape_cast %swap3A_47 : vector<16xf32> to vector<16xf32>
      %swap3A_49 = vector.shape_cast %sub3A_46 : vector<16xf32> to vector<16xf32>
      tpu.vector_store %arg7[%swap3A], %swap3A_49 {add = true, strides = array<i32>} : memref<4096xf32, #tpu.memory_space<vmem>>, vector<16xf32>,
      %add3A_50 = arith.constant 16 : i32
      %add3A_51 = arith.addi %mul3A_38, %add3A_50 : i32
      %get3A_52 = arith.index_cast %add3A_51 : i32 to index
      %get3A_53 = tpu.vector_load %arg6[%get3A_52] {strides = array<i32>} : memref<8192xf32, #tpu.memory_space<vmem>>, vector<16xf32>,
      %get3A_54 = vector.shape_cast %get3A_53 : vector<16xf32> to vector<16xf32>
      %add3A_55 = arith.constant 16 : i32
      %add3A_56 = arith.addi %mul3A_30, %add3A_55 : i32
      %sub3A_57 = vector.broadcast %squeeze3A_32 : f32 to vector<16xf32>
      %sub3A_58 = arith.subf %get3A_54, %sub3A_57 : vector<16xf32>
      %swap3A_59 = arith.index_cast %add3A_56 : i32 to index
      %swap3A_60 = tpu.vector_load %arg7[%swap3A_59] {strides = array<i32>} : memref<4096xf32, #tpu.memory_space<vmem>>, vector<16xf32>,
      %swap3A_61 = vector.shape_cast %swap3A_60 : vector<16xf32> to vector<16xf32>
      %swap3A_62 = vector.shape_cast %sub3A_58 : vector<16xf32> to vector<16xf32>
      tpu.vector_store %arg7[%swap3A_59], %swap3A_62 {add = true, strides = array<i32>} : memref<4096xf32, #tpu.memory_space<vmem>>, vector<16xf32>,
      %add3A_63 = arith.constant 32 : i32
      %add3A_64 = arith.addi %mul3A_38, %add3A_63 : i32
      %get3A_65 = arith.index_cast %add3A_64 : i32 to index
      %get3A_66 = tpu.vector_load %arg6[%get3A_65] {strides = array<i32>} : memref<8192xf32, #tpu.memory_space<vmem>>, vector<16xf32>,
      %get3A_67 = vector.shape_cast %get3A_66 : vector<16xf32> to vector<16xf32>
      %add3A_68 = arith.constant 32 : i32
      %add3A_69 = arith.addi %mul3A_30, %add3A_68 : i32
      %sub3A_70 = vector.broadcast %squeeze3A_32 : f32 to vector<16xf32>
      %sub3A_71 = arith.subf %get3A_67, %sub3A_70 : vector<16xf32>
      %swap3A_72 = arith.index_cast %add3A_69 : i32 to index
      %swap3A_73 = tpu.vector_load %arg7[%swap3A_72] {strides = array<i32>} : memref<4096xf32, #tpu.memory_space<vmem>>, vector<16xf32>,
      %swap3A_74 = vector.shape_cast %swap3A_73 : vector<16xf32> to vector<16xf32>
      %swap3A_75 = vector.shape_cast %sub3A_71 : vector<16xf32> to vector<16xf32>
      tpu.vector_store %arg7[%swap3A_72], %swap3A_75 {add = true, strides = array<i32>} : memref<4096xf32, #tpu.memory_space<vmem>>, vector<16xf32>,
      %add3A_76 = arith.constant 48 : i32
      %add3A_77 = arith.addi %mul3A_38, %add3A_76 : i32
      %get3A_78 = arith.index_cast %add3A_77 : i32 to index
      %get3A_79 = tpu.vector_load %arg6[%get3A_78] {strides = array<i32>} : memref<8192xf32, #tpu.memory_space<vmem>>, vector<16xf32>,
      %get3A_80 = vector.shape_cast %get3A_79 : vector<16xf32> to vector<16xf32>
      %add3A_81 = arith.constant 48 : i32
      %add3A_82 = arith.addi %mul3A_30, %add3A_81 : i32
      %sub3A_83 = vector.broadcast %squeeze3A_32 : f32 to vector<16xf32>
      %sub3A_84 = arith.subf %get3A_80, %sub3A_83 : vector<16xf32>
      %swap3A_85 = arith.index_cast %add3A_82 : i32 to index
      %swap3A_86 = tpu.vector_load %arg7[%swap3A_85] {strides = array<i32>} : memref<4096xf32, #tpu.memory_space<vmem>>, vector<16xf32>,
      %swap3A_87 = vector.shape_cast %swap3A_86 : vector<16xf32> to vector<16xf32>
      %swap3A_88 = vector.shape_cast %sub3A_84 : vector<16xf32> to vector<16xf32>
      tpu.vector_store %arg7[%swap3A_85], %swap3A_88 {add = true, strides = array<i32>} : memref<4096xf32, #tpu.memory_space<vmem>>, vector<16xf32>,
      %slice3A_89 = vector.extract_strided_slice %get3A_20 {offsets = [1], sizes = [1], strides = [1]} : vector<16xi32> to vector<1xi32>
      %squeeze3A_90 = vector.extract %slice3A_89[0] : i32 from vector<1xi32>
      %mul3A_91 = arith.constant 64 : i32
      %mul3A_92 = arith.muli %squeeze3A_90, %mul3A_91 : i32
      %slice3A_93 = vector.extract_strided_slice %mul3A_28 {offsets = [1], sizes = [1], strides = [1]} : vector<16xf32> to vector<1xf32>
      %squeeze3A_94 = vector.extract %slice3A_93[0] : f32 from vector<1xf32>
      %mul3A_95 = arith.constant 16 : i32
      %mul3A_96 = arith.muli %scan3A_15, %mul3A_95 : i32
      %add3A_97 = arith.constant 1 : i32
      %add3A_98 = arith.addi %mul3A_96, %add3A_97 : i32
      %mul3A_99 = arith.constant 64 : i32
      %mul3A_100 = arith.muli %add3A_98, %mul3A_99 : i32
      %add3A_101 = arith.constant 0 : i32
      %add3A_102 = arith.addi %mul3A_100, %add3A_101 : i32
      %get3A_103 = arith.index_cast %add3A_102 : i32 to index
      %get3A_104 = tpu.vector_load %arg6[%get3A_103] {strides = array<i32>} : memref<8192xf32, #tpu.memory_space<vmem>>, vector<16xf32>,
      %get3A_105 = vector.shape_cast %get3A_104 : vector<16xf32> to vector<16xf32>
      %add3A_106 = arith.constant 0 : i32
      %add3A_107 = arith.addi %mul3A_92, %add3A_106 : i32
      %sub3A_108 = vector.broadcast %squeeze3A_94 : f32 to vector<16xf32>
      %sub3A_109 = arith.subf %get3A_105, %sub3A_108 : vector<16xf32>
      %swap3A_110 = arith.index_cast %add3A_107 : i32 to index
      %swap3A_111 = tpu.vector_load %arg7[%swap3A_110] {strides = array<i32>} : memref<4096xf32, #tpu.memory_space<vmem>>, vector<16xf32>,
      %swap3A_112 = vector.shape_cast %swap3A_111 : vector<16xf32> to vector<16xf32>
      %swap3A_113 = vector.shape_cast %sub3A_109 : vector<16xf32> to vector<16xf32>
      tpu.vector_store %arg7[%swap3A_110], %swap3A_113 {add = true, strides = array<i32>} : memref<4096xf32, #tpu.memory_space<vmem>>, vector<16xf32>,
      %add3A_114 = arith.constant 16 : i32
      %add3A_115 = arith.addi %mul3A_100, %add3A_114 : i32
      %get3A_116 = arith.index_cast %add3A_115 : i32 to index
      %get3A_117 = tpu.vector_load %arg6[%get3A_116] {strides = array<i32>} : memref<8192xf32, #tpu.memory_space<vmem>>, vector<16xf32>,
      %get3A_118 = vector.shape_cast %get3A_117 : vector<16xf32> to vector<16xf32>
      %add3A_119 = arith.constant 16 : i32
      %add3A_120 = arith.addi %mul3A_92, %add3A_119 : i32
      %sub3A_121 = vector.broadcast %squeeze3A_94 : f32 to vector<16xf32>
      %sub3A_122 = arith.subf %get3A_118, %sub3A_121 : vector<16xf32>
      %swap3A_123 = arith.index_cast %add3A_120 : i32 to index
      %swap3A_124 = tpu.vector_load %arg7[%swap3A_123] {strides = array<i32>} : memref<4096xf32, #tpu.memory_space<vmem>>, vector<16xf32>,
      %swap3A_125 = vector.shape_cast %swap3A_124 : vector<16xf32> to vector<16xf32>
      %swap3A_126 = vector.shape_cast %sub3A_122 : vector<16xf32> to vector<16xf32>
      tpu.vector_store %arg7[%swap3A_123], %swap3A_126 {add = true, strides = array<i32>} : memref<4096xf32, #tpu.memory_space<vmem>>, vector<16xf32>,
      %add3A_127 = arith.constant 32 : i32
      %add3A_128 = arith.addi %mul3A_100, %add3A_127 : i32
      %get3A_129 = arith.index_cast %add3A_128 : i32 to index
      %get3A_130 = tpu.vector_load %arg6[%get3A_129] {strides = array<i32>} : memref<8192xf32, #tpu.memory_space<vmem>>, vector<16xf32>,
      %get3A_131 = vector.shape_cast %get3A_130 : vector<16xf32> to vector<16xf32>
      %add3A_132 = arith.constant 32 : i32
      %add3A_133 = arith.addi %mul3A_92, %add3A_132 : i32
      %sub3A_134 = vector.broadcast %squeeze3A_94 : f32 to vector<16xf32>
      %sub3A_135 = arith.subf %get3A_131, %sub3A_134 : vector<16xf32>
      %swap3A_136 = arith.index_cast %add3A_133 : i32 to index
      %swap3A_137 = tpu.vector_load %arg7[%swap3A_136] {strides = array<i32>} : memref<4096xf32, #tpu.memory_space<vmem>>, vector<16xf32>,
      %swap3A_138 = vector.shape_cast %swap3A_137 : vector<16xf32> to vector<16xf32>
      %swap3A_139 = vector.shape_cast %sub3A_135 : vector<16xf32> to vector<16xf32>
      tpu.vector_store %arg7[%swap3A_136], %swap3A_139 {add = true, strides = array<i32>} : memref<4096xf32, #tpu.memory_space<vmem>>, vector<16xf32>,
      %add3A_140 = arith.constant 48 : i32
      %add3A_141 = arith.addi %mul3A_100, %add3A_140 : i32
      %get3A_142 = arith.index_cast %add3A_141 : i32 to index
      %get3A_143 = tpu.vector_load %arg6[%get3A_142] {strides = array<i32>} : memref<8192xf32, #tpu.memory_space<vmem>>, vector<16xf32>,
      %get3A_144 = vector.shape_cast %get3A_143 : vector<16xf32> to vector<16xf32>
      %add3A_145 = arith.constant 48 : i32
      %add3A_146 = arith.addi %mul3A_92, %add3A_145 : i32
      %sub3A_147 = vector.broadcast %squeeze3A_94 : f32 to vector<16xf32>
      %sub3A_148 = arith.subf %get3A_144, %sub3A_147 : vector<16xf32>
      %swap3A_149 = arith.index_cast %add3A_146 : i32 to index
      %swap3A_150 = tpu.vector_load %arg7[%swap3A_149] {strides = array<i32>} : memref<4096xf32, #tpu.memory_space<vmem>>, vector<16xf32>,
      %swap3A_151 = vector.shape_cast %swap3A_150 : vector<16xf32> to vector<16xf32>
      %swap3A_152 = vector.shape_cast %sub3A_148 : vector<16xf32> to vector<16xf32>
      tpu.vector_store %arg7[%swap3A_149], %swap3A_152 {add = true, strides = array<i32>} : memref<4096xf32, #tpu.memory_space<vmem>>, vector<16xf32>,
      %slice3A_153 = vector.extract_strided_slice %get3A_20 {offsets = [2], sizes = [1], strides = [1]} : vector<16xi32> to vector<1xi32>
      %squeeze3A_154 = vector.extract %slice3A_153[0] : i32 from vector<1xi32>
      %mul3A_155 = arith.constant 64 : i32
      %mul3A_156 = arith.muli %squeeze3A_154, %mul3A_155 : i32
      %slice3A_157 = vector.extract_strided_slice %mul3A_28 {offsets = [2], sizes = [1], strides = [1]} : vector<16xf32> to vector<1xf32>
      %squeeze3A_158 = vector.extract %slice3A_157[0] : f32 from vector<1xf32>
      %mul3A_159 = arith.constant 16 : i32
      %mul3A_160 = arith.muli %scan3A_15, %mul3A_159 : i32
      %add3A_161 = arith.constant 2 : i32
      %add3A_162 = arith.addi %mul3A_160, %add3A_161 : i32
      %mul3A_163 = arith.constant 64 : i32
      %mul3A_164 = arith.muli %add3A_162, %mul3A_163 : i32
      %add3A_165 = arith.constant 0 : i32
      %add3A_166 = arith.addi %mul3A_164, %add3A_165 : i32
      %get3A_167 = arith.index_cast %add3A_166 : i32 to index
      %get3A_168 = tpu.vector_load %arg6[%get3A_167] {strides = array<i32>} : memref<8192xf32, #tpu.memory_space<vmem>>, vector<16xf32>,
      %get3A_169 = vector.shape_cast %get3A_168 : vector<16xf32> to vector<16xf32>
      %add3A_170 = arith.constant 0 : i32
      %add3A_171 = arith.addi %mul3A_156, %add3A_170 : i32
      %sub3A_172 = vector.broadcast %squeeze3A_158 : f32 to vector<16xf32>
      %sub3A_173 = arith.subf %get3A_169, %sub3A_172 : vector<16xf32>
      %swap3A_174 = arith.index_cast %add3A_171 : i32 to index
      %swap3A_175 = tpu.vector_load %arg7[%swap3A_174] {strides = array<i32>} : memref<4096xf32, #tpu.memory_space<vmem>>, vector<16xf32>,
      %swap3A_176 = vector.shape_cast %swap3A_175 : vector<16xf32> to vector<16xf32>
      %swap3A_177 = vector.shape_cast %sub3A_173 : vector<16xf32> to vector<16xf32>
      tpu.vector_store %arg7[%swap3A_174], %swap3A_177 {add = true, strides = array<i32>} : memref<4096xf32, #tpu.memory_space<vmem>>, vector<16xf32>,
      %add3A_178 = arith.constant 16 : i32
      %add3A_179 = arith.addi %mul3A_164, %add3A_178 : i32
      %get3A_180 = arith.index_cast %add3A_179 : i32 to index
      %get3A_181 = tpu.vector_load %arg6[%get3A_180] {strides = array<i32>} : memref<8192xf32, #tpu.memory_space<vmem>>, vector<16xf32>,
      %get3A_182 = vector.shape_cast %get3A_181 : vector<16xf32> to vector<16xf32>
      %add3A_183 = arith.constant 16 : i32
      %add3A_184 = arith.addi %mul3A_156, %add3A_183 : i32
      %sub3A_185 = vector.broadcast %squeeze3A_158 : f32 to vector<16xf32>
      %sub3A_186 = arith.subf %get3A_182, %sub3A_185 : vector<16xf32>
      %swap3A_187 = arith.index_cast %add3A_184 : i32 to index
      %swap3A_188 = tpu.vector_load %arg7[%swap3A_187] {strides = array<i32>} : memref<4096xf32, #tpu.memory_space<vmem>>, vector<16xf32>,
      %swap3A_189 = vector.shape_cast %swap3A_188 : vector<16xf32> to vector<16xf32>
      %swap3A_190 = vector.shape_cast %sub3A_186 : vector<16xf32> to vector<16xf32>
      tpu.vector_store %arg7[%swap3A_187], %swap3A_190 {add = true, strides = array<i32>} : memref<4096xf32, #tpu.memory_space<vmem>>, vector<16xf32>,
      %add3A_191 = arith.constant 32 : i32
      %add3A_192 = arith.addi %mul3A_164, %add3A_191 : i32
      %get3A_193 = arith.index_cast %add3A_192 : i32 to index
      %get3A_194 = tpu.vector_load %arg6[%get3A_193] {strides = array<i32>} : memref<8192xf32, #tpu.memory_space<vmem>>, vector<16xf32>,
      %get3A_195 = vector.shape_cast %get3A_194 : vector<16xf32> to vector<16xf32>
      %add3A_196 = arith.constant 32 : i32
      %add3A_197 = arith.addi %mul3A_156, %add3A_196 : i32
      %sub3A_198 = vector.broadcast %squeeze3A_158 : f32 to vector<16xf32>
      %sub3A_199 = arith.subf %get3A_195, %sub3A_198 : vector<16xf32>
      %swap3A_200 = arith.index_cast %add3A_197 : i32 to index
      %swap3A_201 = tpu.vector_load %arg7[%swap3A_200] {strides = array<i32>} : memref<4096xf32, #tpu.memory_space<vmem>>, vector<16xf32>,
      %swap3A_202 = vector.shape_cast %swap3A_201 : vector<16xf32> to vector<16xf32>
      %swap3A_203 = vector.shape_cast %sub3A_199 : vector<16xf32> to vector<16xf32>
      tpu.vector_store %arg7[%swap3A_200], %swap3A_203 {add = true, strides = array<i32>} : memref<4096xf32, #tpu.memory_space<vmem>>, vector<16xf32>,
      %add3A_204 = arith.constant 48 : i32
      %add3A_205 = arith.addi %mul3A_164, %add3A_204 : i32
      %get3A_206 = arith.index_cast %add3A_205 : i32 to index
      %get3A_207 = tpu.vector_load %arg6[%get3A_206] {strides = array<i32>} : memref<8192xf32, #tpu.memory_space<vmem>>, vector<16xf32>,
      %get3A_208 = vector.shape_cast %get3A_207 : vector<16xf32> to vector<16xf32>
      %add3A_209 = arith.constant 48 : i32
      %add3A_210 = arith.addi %mul3A_156, %add3A_209 : i32
      %sub3A_211 = vector.broadcast %squeeze3A_158 : f32 to vector<16xf32>
      %sub3A_212 = arith.subf %get3A_208, %sub3A_211 : vector<16xf32>
      %swap3A_213 = arith.index_cast %add3A_210 : i32 to index
      %swap3A_214 = tpu.vector_load %arg7[%swap3A_213] {strides = array<i32>} : memref<4096xf32, #tpu.memory_space<vmem>>, vector<16xf32>,
      %swap3A_215 = vector.shape_cast %swap3A_214 : vector<16xf32> to vector<16xf32>
      %swap3A_216 = vector.shape_cast %sub3A_212 : vector<16xf32> to vector<16xf32>
      tpu.vector_store %arg7[%swap3A_213], %swap3A_216 {add = true, strides = array<i32>} : memref<4096xf32, #tpu.memory_space<vmem>>, vector<16xf32>,
      %slice3A_217 = vector.extract_strided_slice %get3A_20 {offsets = [3], sizes = [1], strides = [1]} : vector<16xi32> to vector<1xi32>
      %squeeze3A_218 = vector.extract %slice3A_217[0] : i32 from vector<1xi32>
      %mul3A_219 = arith.constant 64 : i32
      %mul3A_220 = arith.muli %squeeze3A_218, %mul3A_219 : i32
      %slice3A_221 = vector.extract_strided_slice %mul3A_28 {offsets = [3], sizes = [1], strides = [1]} : vector<16xf32> to vector<1xf32>
      %squeeze3A_222 = vector.extract %slice3A_221[0] : f32 from vector<1xf32>
      %mul3A_223 = arith.constant 16 : i32
      %mul3A_224 = arith.muli %scan3A_15, %mul3A_223 : i32
      %add3A_225 = arith.constant 3 : i32
      %add3A_226 = arith.addi %mul3A_224, %add3A_225 : i32
      %mul3A_227 = arith.constant 64 : i32
      %mul3A_228 = arith.muli %add3A_226, %mul3A_227 : i32
      %add3A_229 = arith.constant 0 : i32
      %add3A_230 = arith.addi %mul3A_228, %add3A_229 : i32
      %get3A_231 = arith.index_cast %add3A_230 : i32 to index
      %get3A_232 = tpu.vector_load %arg6[%get3A_231] {strides = array<i32>} : memref<8192xf32, #tpu.memory_space<vmem>>, vector<16xf32>,
      %get3A_233 = vector.shape_cast %get3A_232 : vector<16xf32> to vector<16xf32>
      %add3A_234 = arith.constant 0 : i32
      %add3A_235 = arith.addi %mul3A_220, %add3A_234 : i32
      %sub3A_236 = vector.broadcast %squeeze3A_222 : f32 to vector<16xf32>
      %sub3A_237 = arith.subf %get3A_233, %sub3A_236 : vector<16xf32>
      %swap3A_238 = arith.index_cast %add3A_235 : i32 to index
      %swap3A_239 = tpu.vector_load %arg7[%swap3A_238] {strides = array<i32>} : memref<4096xf32, #tpu.memory_space<vmem>>, vector<16xf32>,
      %swap3A_240 = vector.shape_cast %swap3A_239 : vector<16xf32> to vector<16xf32>
      %swap3A_241 = vector.shape_cast %sub3A_237 : vector<16xf32> to vector<16xf32>
      tpu.vector_store %arg7[%swap3A_238], %swap3A_241 {add = true, strides = array<i32>} : memref<4096xf32, #tpu.memory_space<vmem>>, vector<16xf32>,
      %add3A_242 = arith.constant 16 : i32
      %add3A_243 = arith.addi %mul3A_228, %add3A_242 : i32
      %get3A_244 = arith.index_cast %add3A_243 : i32 to index
      %get3A_245 = tpu.vector_load %arg6[%get3A_244] {strides = array<i32>} : memref<8192xf32, #tpu.memory_space<vmem>>, vector<16xf32>,
      %get3A_246 = vector.shape_cast %get3A_245 : vector<16xf32> to vector<16xf32>
      %add3A_247 = arith.constant 16 : i32
      %add3A_248 = arith.addi %mul3A_220, %add3A_247 : i32
      %sub3A_249 = vector.broadcast %squeeze3A_222 : f32 to vector<16xf32>
      %sub3A_250 = arith.subf %get3A_246, %sub3A_249 : vector<16xf32>
      %swap3A_251 = arith.index_cast %add3A_248 : i32 to index
      %swap3A_252 = tpu.vector_load %arg7[%swap3A_251] {strides = array<i32>} : memref<4096xf32, #tpu.memory_space<vmem>>, vector<16xf32>,
      %swap3A_253 = vector.shape_cast %swap3A_252 : vector<16xf32> to vector<16xf32>
      %swap3A_254 = vector.shape_cast %sub3A_250 : vector<16xf32> to vector<16xf32>
      tpu.vector_store %arg7[%swap3A_251], %swap3A_254 {add = true, strides = array<i32>} : memref<4096xf32, #tpu.memory_space<vmem>>, vector<16xf32>,
      %add3A_255 = arith.constant 32 : i32
      %add3A_256 = arith.addi %mul3A_228, %add3A_255 : i32
      %get3A_257 = arith.index_cast %add3A_256 : i32 to index
      %get3A_258 = tpu.vector_load %arg6[%get3A_257] {strides = array<i32>} : memref<8192xf32, #tpu.memory_space<vmem>>, vector<16xf32>,
      %get3A_259 = vector.shape_cast %get3A_258 : vector<16xf32> to vector<16xf32>
      %add3A_260 = arith.constant 32 : i32
      %add3A_261 = arith.addi %mul3A_220, %add3A_260 : i32
      %sub3A_262 = vector.broadcast %squeeze3A_222 : f32 to vector<16xf32>
      %sub3A_263 = arith.subf %get3A_259, %sub3A_262 : vector<16xf32>
      %swap3A_264 = arith.index_cast %add3A_261 : i32 to index
      %swap3A_265 = tpu.vector_load %arg7[%swap3A_264] {strides = array<i32>} : memref<4096xf32, #tpu.memory_space<vmem>>, vector<16xf32>,
      %swap3A_266 = vector.shape_cast %swap3A_265 : vector<16xf32> to vector<16xf32>
      %swap3A_267 = vector.shape_cast %sub3A_263 : vector<16xf32> to vector<16xf32>
      tpu.vector_store %arg7[%swap3A_264], %swap3A_267 {add = true, strides = array<i32>} : memref<4096xf32, #tpu.memory_space<vmem>>, vector<16xf32>,
      %add3A_268 = arith.constant 48 : i32
      %add3A_269 = arith.addi %mul3A_228, %add3A_268 : i32
      %get3A_270 = arith.index_cast %add3A_269 : i32 to index
      %get3A_271 = tpu.vector_load %arg6[%get3A_270] {strides = array<i32>} : memref<8192xf32, #tpu.memory_space<vmem>>, vector<16xf32>,
      %get3A_272 = vector.shape_cast %get3A_271 : vector<16xf32> to vector<16xf32>
      %add3A_273 = arith.constant 48 : i32
      %add3A_274 = arith.addi %mul3A_220, %add3A_273 : i32
      %sub3A_275 = vector.broadcast %squeeze3A_222 : f32 to vector<16xf32>
      %sub3A_276 = arith.subf %get3A_272, %sub3A_275 : vector<16xf32>
      %swap3A_277 = arith.index_cast %add3A_274 : i32 to index
      %swap3A_278 = tpu.vector_load %arg7[%swap3A_277] {strides = array<i32>} : memref<4096xf32, #tpu.memory_space<vmem>>, vector<16xf32>,
      %swap3A_279 = vector.shape_cast %swap3A_278 : vector<16xf32> to vector<16xf32>
      %swap3A_280 = vector.shape_cast %sub3A_276 : vector<16xf32> to vector<16xf32>
      tpu.vector_store %arg7[%swap3A_277], %swap3A_280 {add = true, strides = array<i32>} : memref<4096xf32, #tpu.memory_space<vmem>>, vector<16xf32>,
      %slice3A_281 = vector.extract_strided_slice %get3A_20 {offsets = [4], sizes = [1], strides = [1]} : vector<16xi32> to vector<1xi32>
      %squeeze3A_282 = vector.extract %slice3A_281[0] : i32 from vector<1xi32>
      %mul3A_283 = arith.constant 64 : i32
      %mul3A_284 = arith.muli %squeeze3A_282, %mul3A_283 : i32
      %slice3A_285 = vector.extract_strided_slice %mul3A_28 {offsets = [4], sizes = [1], strides = [1]} : vector<16xf32> to vector<1xf32>
      %squeeze3A_286 = vector.extract %slice3A_285[0] : f32 from vector<1xf32>
      %mul3A_287 = arith.constant 16 : i32
      %mul3A_288 = arith.muli %scan3A_15, %mul3A_287 : i32
      %add3A_289 = arith.constant 4 : i32
      %add3A_290 = arith.addi %mul3A_288, %add3A_289 : i32
      %mul3A_291 = arith.constant 64 : i32
      %mul3A_292 = arith.muli %add3A_290, %mul3A_291 : i32
      %add3A_293 = arith.constant 0 : i32
      %add3A_294 = arith.addi %mul3A_292, %add3A_293 : i32
      %get3A_295 = arith.index_cast %add3A_294 : i32 to index
      %get3A_296 = tpu.vector_load %arg6[%get3A_295] {strides = array<i32>} : memref<8192xf32, #tpu.memory_space<vmem>>, vector<16xf32>,
      %get3A_297 = vector.shape_cast %get3A_296 : vector<16xf32> to vector<16xf32>
      %add3A_298 = arith.constant 0 : i32
      %add3A_299 = arith.addi %mul3A_284, %add3A_298 : i32
      %sub3A_300 = vector.broadcast %squeeze3A_286 : f32 to vector<16xf32>
      %sub3A_301 = arith.subf %get3A_297, %sub3A_300 : vector<16xf32>
      %swap3A_302 = arith.index_cast %add3A_299 : i32 to index
      %swap3A_303 = tpu.vector_load %arg7[%swap3A_302] {strides = array<i32>} : memref<4096xf32, #tpu.memory_space<vmem>>, vector<16xf32>,
      %swap3A_304 = vector.shape_cast %swap3A_303 : vector<16xf32> to vector<16xf32>
      %swap3A_305 = vector.shape_cast %sub3A_301 : vector<16xf32> to vector<16xf32>
      tpu.vector_store %arg7[%swap3A_302], %swap3A_305 {add = true, strides = array<i32>} : memref<4096xf32, #tpu.memory_space<vmem>>, vector<16xf32>,
      %add3A_306 = arith.constant 16 : i32
      %add3A_307 = arith.addi %mul3A_292, %add3A_306 : i32
      %get3A_308 = arith.index_cast %add3A_307 : i32 to index
      %get3A_309 = tpu.vector_load %arg6[%get3A_308] {strides = array<i32>} : memref<8192xf32, #tpu.memory_space<vmem>>, vector<16xf32>,
      %get3A_310 = vector.shape_cast %get3A_309 : vector<16xf32> to vector<16xf32>
      %add3A_311 = arith.constant 16 : i32
      %add3A_312 = arith.addi %mul3A_284, %add3A_311 : i32
      %sub3A_313 = vector.broadcast %squeeze3A_286 : f32 to vector<16xf32>
      %sub3A_314 = arith.subf %get3A_310, %sub3A_313 : vector<16xf32>
      %swap3A_315 = arith.index_cast %add3A_312 : i32 to index
      %swap3A_316 = tpu.vector_load %arg7[%swap3A_315] {strides = array<i32>} : memref<4096xf32, #tpu.memory_space<vmem>>, vector<16xf32>,
      %swap3A_317 = vector.shape_cast %swap3A_316 : vector<16xf32> to vector<16xf32>
      %swap3A_318 = vector.shape_cast %sub3A_314 : vector<16xf32> to vector<16xf32>
      tpu.vector_store %arg7[%swap3A_315], %swap3A_318 {add = true, strides = array<i32>} : memref<4096xf32, #tpu.memory_space<vmem>>, vector<16xf32>,
      %add3A_319 = arith.constant 32 : i32
      %add3A_320 = arith.addi %mul3A_292, %add3A_319 : i32
      %get3A_321 = arith.index_cast %add3A_320 : i32 to index
      %get3A_322 = tpu.vector_load %arg6[%get3A_321] {strides = array<i32>} : memref<8192xf32, #tpu.memory_space<vmem>>, vector<16xf32>,
      %get3A_323 = vector.shape_cast %get3A_322 : vector<16xf32> to vector<16xf32>
      %add3A_324 = arith.constant 32 : i32
      %add3A_325 = arith.addi %mul3A_284, %add3A_324 : i32
      %sub3A_326 = vector.broadcast %squeeze3A_286 : f32 to vector<16xf32>
      %sub3A_327 = arith.subf %get3A_323, %sub3A_326 : vector<16xf32>
      %swap3A_328 = arith.index_cast %add3A_325 : i32 to index
      %swap3A_329 = tpu.vector_load %arg7[%swap3A_328] {strides = array<i32>} : memref<4096xf32, #tpu.memory_space<vmem>>, vector<16xf32>,
      %swap3A_330 = vector.shape_cast %swap3A_329 : vector<16xf32> to vector<16xf32>
      %swap3A_331 = vector.shape_cast %sub3A_327 : vector<16xf32> to vector<16xf32>
      tpu.vector_store %arg7[%swap3A_328], %swap3A_331 {add = true, strides = array<i32>} : memref<4096xf32, #tpu.memory_space<vmem>>, vector<16xf32>,
      %add3A_332 = arith.constant 48 : i32
      %add3A_333 = arith.addi %mul3A_292, %add3A_332 : i32
      %get3A_334 = arith.index_cast %add3A_333 : i32 to index
      %get3A_335 = tpu.vector_load %arg6[%get3A_334] {strides = array<i32>} : memref<8192xf32, #tpu.memory_space<vmem>>, vector<16xf32>,
      %get3A_336 = vector.shape_cast %get3A_335 : vector<16xf32> to vector<16xf32>
      %add3A_337 = arith.constant 48 : i32
      %add3A_338 = arith.addi %mul3A_284, %add3A_337 : i32
      %sub3A_339 = vector.broadcast %squeeze3A_286 : f32 to vector<16xf32>
      %sub3A_340 = arith.subf %get3A_336, %sub3A_339 : vector<16xf32>
      %swap3A_341 = arith.index_cast %add3A_338 : i32 to index
      %swap3A_342 = tpu.vector_load %arg7[%swap3A_341] {strides = array<i32>} : memref<4096xf32, #tpu.memory_space<vmem>>, vector<16xf32>,
      %swap3A_343 = vector.shape_cast %swap3A_342 : vector<16xf32> to vector<16xf32>
      %swap3A_344 = vector.shape_cast %sub3A_340 : vector<16xf32> to vector<16xf32>
      tpu.vector_store %arg7[%swap3A_341], %swap3A_344 {add = true, strides = array<i32>} : memref<4096xf32, #tpu.memory_space<vmem>>, vector<16xf32>,
      %slice3A_345 = vector.extract_strided_slice %get3A_20 {offsets = [5], sizes = [1], strides = [1]} : vector<16xi32> to vector<1xi32>
      %squeeze3A_346 = vector.extract %slice3A_345[0] : i32 from vector<1xi32>
      %mul3A_347 = arith.constant 64 : i32
      %mul3A_348 = arith.muli %squeeze3A_346, %mul3A_347 : i32
      %slice3A_349 = vector.extract_strided_slice %mul3A_28 {offsets = [5], sizes = [1], strides = [1]} : vector<16xf32> to vector<1xf32>
      %squeeze3A_350 = vector.extract %slice3A_349[0] : f32 from vector<1xf32>
      %mul3A_351 = arith.constant 16 : i32
      %mul3A_352 = arith.muli %scan3A_15, %mul3A_351 : i32
      %add3A_353 = arith.constant 5 : i32
      %add3A_354 = arith.addi %mul3A_352, %add3A_353 : i32
      %mul3A_355 = arith.constant 64 : i32
      %mul3A_356 = arith.muli %add3A_354, %mul3A_355 : i32
      %add3A_357 = arith.constant 0 : i32
      %add3A_358 = arith.addi %mul3A_356, %add3A_357 : i32
      %get3A_359 = arith.index_cast %add3A_358 : i32 to index
      %get3A_360 = tpu.vector_load %arg6[%get3A_359] {strides = array<i32>} : memref<8192xf32, #tpu.memory_space<vmem>>, vector<16xf32>,
      %get3A_361 = vector.shape_cast %get3A_360 : vector<16xf32> to vector<16xf32>
      %add3A_362 = arith.constant 0 : i32
      %add3A_363 = arith.addi %mul3A_348, %add3A_362 : i32
      %sub3A_364 = vector.broadcast %squeeze3A_350 : f32 to vector<16xf32>
      %sub3A_365 = arith.subf %get3A_361, %sub3A_364 : vector<16xf32>
      %swap3A_366 = arith.index_cast %add3A_363 : i32 to index
      %swap3A_367 = tpu.vector_load %arg7[%swap3A_366] {strides = array<i32>} : memref<4096xf32, #tpu.memory_space<vmem>>, vector<16xf32>,
      %swap3A_368 = vector.shape_cast %swap3A_367 : vector<16xf32> to vector<16xf32>
      %swap3A_369 = vector.shape_cast %sub3A_365 : vector<16xf32> to vector<16xf32>
      tpu.vector_store %arg7[%swap3A_366], %swap3A_369 {add = true, strides = array<i32>} : memref<4096xf32, #tpu.memory_space<vmem>>, vector<16xf32>,
      %add3A_370 = arith.constant 16 : i32
      %add3A_371 = arith.addi %mul3A_356, %add3A_370 : i32
      %get3A_372 = arith.index_cast %add3A_371 : i32 to index
      %get3A_373 = tpu.vector_load %arg6[%get3A_372] {strides = array<i32>} : memref<8192xf32, #tpu.memory_space<vmem>>, vector<16xf32>,
      %get3A_374 = vector.shape_cast %get3A_373 : vector<16xf32> to vector<16xf32>
      %add3A_375 = arith.constant 16 : i32
      %add3A_376 = arith.addi %mul3A_348, %add3A_375 : i32
      %sub3A_377 = vector.broadcast %squeeze3A_350 : f32 to vector<16xf32>
      %sub3A_378 = arith.subf %get3A_374, %sub3A_377 : vector<16xf32>
      %swap3A_379 = arith.index_cast %add3A_376 : i32 to index
      %swap3A_380 = tpu.vector_load %arg7[%swap3A_379] {strides = array<i32>} : memref<4096xf32, #tpu.memory_space<vmem>>, vector<16xf32>,
      %swap3A_381 = vector.shape_cast %swap3A_380 : vector<16xf32> to vector<16xf32>
      %swap3A_382 = vector.shape_cast %sub3A_378 : vector<16xf32> to vector<16xf32>
      tpu.vector_store %arg7[%swap3A_379], %swap3A_382 {add = true, strides = array<i32>} : memref<4096xf32, #tpu.memory_space<vmem>>, vector<16xf32>,
      %add3A_383 = arith.constant 32 : i32
      %add3A_384 = arith.addi %mul3A_356, %add3A_383 : i32
      %get3A_385 = arith.index_cast %add3A_384 : i32 to index
      %get3A_386 = tpu.vector_load %arg6[%get3A_385] {strides = array<i32>} : memref<8192xf32, #tpu.memory_space<vmem>>, vector<16xf32>,
      %get3A_387 = vector.shape_cast %get3A_386 : vector<16xf32> to vector<16xf32>
      %add3A_388 = arith.constant 32 : i32
      %add3A_389 = arith.addi %mul3A_348, %add3A_388 : i32
      %sub3A_390 = vector.broadcast %squeeze3A_350 : f32 to vector<16xf32>
      %sub3A_391 = arith.subf %get3A_387, %sub3A_390 : vector<16xf32>
      %swap3A_392 = arith.index_cast %add3A_389 : i32 to index
      %swap3A_393 = tpu.vector_load %arg7[%swap3A_392] {strides = array<i32>} : memref<4096xf32, #tpu.memory_space<vmem>>, vector<16xf32>,
      %swap3A_394 = vector.shape_cast %swap3A_393 : vector<16xf32> to vector<16xf32>
      %swap3A_395 = vector.shape_cast %sub3A_391 : vector<16xf32> to vector<16xf32>
      tpu.vector_store %arg7[%swap3A_392], %swap3A_395 {add = true, strides = array<i32>} : memref<4096xf32, #tpu.memory_space<vmem>>, vector<16xf32>,
      %add3A_396 = arith.constant 48 : i32
      %add3A_397 = arith.addi %mul3A_356, %add3A_396 : i32
      %get3A_398 = arith.index_cast %add3A_397 : i32 to index
      %get3A_399 = tpu.vector_load %arg6[%get3A_398] {strides = array<i32>} : memref<8192xf32, #tpu.memory_space<vmem>>, vector<16xf32>,
      %get3A_400 = vector.shape_cast %get3A_399 : vector<16xf32> to vector<16xf32>
      %add3A_401 = arith.constant 48 : i32
      %add3A_402 = arith.addi %mul3A_348, %add3A_401 : i32
      %sub3A_403 = vector.broadcast %squeeze3A_350 : f32 to vector<16xf32>
      %sub3A_404 = arith.subf %get3A_400, %sub3A_403 : vector<16xf32>
      %swap3A_405 = arith.index_cast %add3A_402 : i32 to index
      %swap3A_406 = tpu.vector_load %arg7[%swap3A_405] {strides = array<i32>} : memref<4096xf32, #tpu.memory_space<vmem>>, vector<16xf32>,
      %swap3A_407 = vector.shape_cast %swap3A_406 : vector<16xf32> to vector<16xf32>
      %swap3A_408 = vector.shape_cast %sub3A_404 : vector<16xf32> to vector<16xf32>
      tpu.vector_store %arg7[%swap3A_405], %swap3A_408 {add = true, strides = array<i32>} : memref<4096xf32, #tpu.memory_space<vmem>>, vector<16xf32>,
      %slice3A_409 = vector.extract_strided_slice %get3A_20 {offsets = [6], sizes = [1], strides = [1]} : vector<16xi32> to vector<1xi32>
      %squeeze3A_410 = vector.extract %slice3A_409[0] : i32 from vector<1xi32>
      %mul3A_411 = arith.constant 64 : i32
      %mul3A_412 = arith.muli %squeeze3A_410, %mul3A_411 : i32
      %slice3A_413 = vector.extract_strided_slice %mul3A_28 {offsets = [6], sizes = [1], strides = [1]} : vector<16xf32> to vector<1xf32>
      %squeeze3A_414 = vector.extract %slice3A_413[0] : f32 from vector<1xf32>
      %mul3A_415 = arith.constant 16 : i32
      %mul3A_416 = arith.muli %scan3A_15, %mul3A_415 : i32
      %add3A_417 = arith.constant 6 : i32
      %add3A_418 = arith.addi %mul3A_416, %add3A_417 : i32
      %mul3A_419 = arith.constant 64 : i32
      %mul3A_420 = arith.muli %add3A_418, %mul3A_419 : i32
      %add3A_421 = arith.constant 0 : i32
      %add3A_422 = arith.addi %mul3A_420, %add3A_421 : i32
      %get3A_423 = arith.index_cast %add3A_422 : i32 to index
      %get3A_424 = tpu.vector_load %arg6[%get3A_423] {strides = array<i32>} : memref<8192xf32, #tpu.memory_space<vmem>>, vector<16xf32>,
      %get3A_425 = vector.shape_cast %get3A_424 : vector<16xf32> to vector<16xf32>
      %add3A_426 = arith.constant 0 : i32
      %add3A_427 = arith.addi %mul3A_412, %add3A_426 : i32
      %sub3A_428 = vector.broadcast %squeeze3A_414 : f32 to vector<16xf32>
      %sub3A_429 = arith.subf %get3A_425, %sub3A_428 : vector<16xf32>
      %swap3A_430 = arith.index_cast %add3A_427 : i32 to index
      %swap3A_431 = tpu.vector_load %arg7[%swap3A_430] {strides = array<i32>} : memref<4096xf32, #tpu.memory_space<vmem>>, vector<16xf32>,
      %swap3A_432 = vector.shape_cast %swap3A_431 : vector<16xf32> to vector<16xf32>
      %swap3A_433 = vector.shape_cast %sub3A_429 : vector<16xf32> to vector<16xf32>
      tpu.vector_store %arg7[%swap3A_430], %swap3A_433 {add = true, strides = array<i32>} : memref<4096xf32, #tpu.memory_space<vmem>>, vector<16xf32>,
      %add3A_434 = arith.constant 16 : i32
      %add3A_435 = arith.addi %mul3A_420, %add3A_434 : i32
      %get3A_436 = arith.index_cast %add3A_435 : i32 to index
      %get3A_437 = tpu.vector_load %arg6[%get3A_436] {strides = array<i32>} : memref<8192xf32, #tpu.memory_space<vmem>>, vector<16xf32>,
      %get3A_438 = vector.shape_cast %get3A_437 : vector<16xf32> to vector<16xf32>
      %add3A_439 = arith.constant 16 : i32
      %add3A_440 = arith.addi %mul3A_412, %add3A_439 : i32
      %sub3A_441 = vector.broadcast %squeeze3A_414 : f32 to vector<16xf32>
      %sub3A_442 = arith.subf %get3A_438, %sub3A_441 : vector<16xf32>
      %swap3A_443 = arith.index_cast %add3A_440 : i32 to index
      %swap3A_444 = tpu.vector_load %arg7[%swap3A_443] {strides = array<i32>} : memref<4096xf32, #tpu.memory_space<vmem>>, vector<16xf32>,
      %swap3A_445 = vector.shape_cast %swap3A_444 : vector<16xf32> to vector<16xf32>
      %swap3A_446 = vector.shape_cast %sub3A_442 : vector<16xf32> to vector<16xf32>
      tpu.vector_store %arg7[%swap3A_443], %swap3A_446 {add = true, strides = array<i32>} : memref<4096xf32, #tpu.memory_space<vmem>>, vector<16xf32>,
      %add3A_447 = arith.constant 32 : i32
      %add3A_448 = arith.addi %mul3A_420, %add3A_447 : i32
      %get3A_449 = arith.index_cast %add3A_448 : i32 to index
      %get3A_450 = tpu.vector_load %arg6[%get3A_449] {strides = array<i32>} : memref<8192xf32, #tpu.memory_space<vmem>>, vector<16xf32>,
      %get3A_451 = vector.shape_cast %get3A_450 : vector<16xf32> to vector<16xf32>
      %add3A_452 = arith.constant 32 : i32
      %add3A_453 = arith.addi %mul3A_412, %add3A_452 : i32
      %sub3A_454 = vector.broadcast %squeeze3A_414 : f32 to vector<16xf32>
      %sub3A_455 = arith.subf %get3A_451, %sub3A_454 : vector<16xf32>
      %swap3A_456 = arith.index_cast %add3A_453 : i32 to index
      %swap3A_457 = tpu.vector_load %arg7[%swap3A_456] {strides = array<i32>} : memref<4096xf32, #tpu.memory_space<vmem>>, vector<16xf32>,
      %swap3A_458 = vector.shape_cast %swap3A_457 : vector<16xf32> to vector<16xf32>
      %swap3A_459 = vector.shape_cast %sub3A_455 : vector<16xf32> to vector<16xf32>
      tpu.vector_store %arg7[%swap3A_456], %swap3A_459 {add = true, strides = array<i32>} : memref<4096xf32, #tpu.memory_space<vmem>>, vector<16xf32>,
      %add3A_460 = arith.constant 48 : i32
      %add3A_461 = arith.addi %mul3A_420, %add3A_460 : i32
      %get3A_462 = arith.index_cast %add3A_461 : i32 to index
      %get3A_463 = tpu.vector_load %arg6[%get3A_462] {strides = array<i32>} : memref<8192xf32, #tpu.memory_space<vmem>>, vector<16xf32>,
      %get3A_464 = vector.shape_cast %get3A_463 : vector<16xf32> to vector<16xf32>
      %add3A_465 = arith.constant 48 : i32
      %add3A_466 = arith.addi %mul3A_412, %add3A_465 : i32
      %sub3A_467 = vector.broadcast %squeeze3A_414 : f32 to vector<16xf32>
      %sub3A_468 = arith.subf %get3A_464, %sub3A_467 : vector<16xf32>
      %swap3A_469 = arith.index_cast %add3A_466 : i32 to index
      %swap3A_470 = tpu.vector_load %arg7[%swap3A_469] {strides = array<i32>} : memref<4096xf32, #tpu.memory_space<vmem>>, vector<16xf32>,
      %swap3A_471 = vector.shape_cast %swap3A_470 : vector<16xf32> to vector<16xf32>
      %swap3A_472 = vector.shape_cast %sub3A_468 : vector<16xf32> to vector<16xf32>
      tpu.vector_store %arg7[%swap3A_469], %swap3A_472 {add = true, strides = array<i32>} : memref<4096xf32, #tpu.memory_space<vmem>>, vector<16xf32>,
      %slice3A_473 = vector.extract_strided_slice %get3A_20 {offsets = [7], sizes = [1], strides = [1]} : vector<16xi32> to vector<1xi32>
      %squeeze3A_474 = vector.extract %slice3A_473[0] : i32 from vector<1xi32>
      %mul3A_475 = arith.constant 64 : i32
      %mul3A_476 = arith.muli %squeeze3A_474, %mul3A_475 : i32
      %slice3A_477 = vector.extract_strided_slice %mul3A_28 {offsets = [7], sizes = [1], strides = [1]} : vector<16xf32> to vector<1xf32>
      %squeeze3A_478 = vector.extract %slice3A_477[0] : f32 from vector<1xf32>
      %mul3A_479 = arith.constant 16 : i32
      %mul3A_480 = arith.muli %scan3A_15, %mul3A_479 : i32
      %add3A_481 = arith.constant 7 : i32
      %add3A_482 = arith.addi %mul3A_480, %add3A_481 : i32
      %mul3A_483 = arith.constant 64 : i32
      %mul3A_484 = arith.muli %add3A_482, %mul3A_483 : i32
      %add3A_485 = arith.constant 0 : i32
      %add3A_486 = arith.addi %mul3A_484, %add3A_485 : i32
      %get3A_487 = arith.index_cast %add3A_486 : i32 to index
      %get3A_488 = tpu.vector_load %arg6[%get3A_487] {strides = array<i32>} : memref<8192xf32, #tpu.memory_space<vmem>>, vector<16xf32>,
      %get3A_489 = vector.shape_cast %get3A_488 : vector<16xf32> to vector<16xf32>
      %add3A_490 = arith.constant 0 : i32
      %add3A_491 = arith.addi %mul3A_476, %add3A_490 : i32
      %sub3A_492 = vector.broadcast %squeeze3A_478 : f32 to vector<16xf32>
      %sub3A_493 = arith.subf %get3A_489, %sub3A_492 : vector<16xf32>
      %swap3A_494 = arith.index_cast %add3A_491 : i32 to index
      %swap3A_495 = tpu.vector_load %arg7[%swap3A_494] {strides = array<i32>} : memref<4096xf32, #tpu.memory_space<vmem>>, vector<16xf32>,
      %swap3A_496 = vector.shape_cast %swap3A_495 : vector<16xf32> to vector<16xf32>
      %swap3A_497 = vector.shape_cast %sub3A_493 : vector<16xf32> to vector<16xf32>
      tpu.vector_store %arg7[%swap3A_494], %swap3A_497 {add = true, strides = array<i32>} : memref<4096xf32, #tpu.memory_space<vmem>>, vector<16xf32>,
      %add3A_498 = arith.constant 16 : i32
      %add3A_499 = arith.addi %mul3A_484, %add3A_498 : i32
      %get3A_500 = arith.index_cast %add3A_499 : i32 to index
      %get3A_501 = tpu.vector_load %arg6[%get3A_500] {strides = array<i32>} : memref<8192xf32, #tpu.memory_space<vmem>>, vector<16xf32>,
      %get3A_502 = vector.shape_cast %get3A_501 : vector<16xf32> to vector<16xf32>
      %add3A_503 = arith.constant 16 : i32
      %add3A_504 = arith.addi %mul3A_476, %add3A_503 : i32
      %sub3A_505 = vector.broadcast %squeeze3A_478 : f32 to vector<16xf32>
      %sub3A_506 = arith.subf %get3A_502, %sub3A_505 : vector<16xf32>
      %swap3A_507 = arith.index_cast %add3A_504 : i32 to index
      %swap3A_508 = tpu.vector_load %arg7[%swap3A_507] {strides = array<i32>} : memref<4096xf32, #tpu.memory_space<vmem>>, vector<16xf32>,
      %swap3A_509 = vector.shape_cast %swap3A_508 : vector<16xf32> to vector<16xf32>
      %swap3A_510 = vector.shape_cast %sub3A_506 : vector<16xf32> to vector<16xf32>
      tpu.vector_store %arg7[%swap3A_507], %swap3A_510 {add = true, strides = array<i32>} : memref<4096xf32, #tpu.memory_space<vmem>>, vector<16xf32>,
      %add3A_511 = arith.constant 32 : i32
      %add3A_512 = arith.addi %mul3A_484, %add3A_511 : i32
      %get3A_513 = arith.index_cast %add3A_512 : i32 to index
      %get3A_514 = tpu.vector_load %arg6[%get3A_513] {strides = array<i32>} : memref<8192xf32, #tpu.memory_space<vmem>>, vector<16xf32>,
      %get3A_515 = vector.shape_cast %get3A_514 : vector<16xf32> to vector<16xf32>
      %add3A_516 = arith.constant 32 : i32
      %add3A_517 = arith.addi %mul3A_476, %add3A_516 : i32
      %sub3A_518 = vector.broadcast %squeeze3A_478 : f32 to vector<16xf32>
      %sub3A_519 = arith.subf %get3A_515, %sub3A_518 : vector<16xf32>
      %swap3A_520 = arith.index_cast %add3A_517 : i32 to index
      %swap3A_521 = tpu.vector_load %arg7[%swap3A_520] {strides = array<i32>} : memref<4096xf32, #tpu.memory_space<vmem>>, vector<16xf32>,
      %swap3A_522 = vector.shape_cast %swap3A_521 : vector<16xf32> to vector<16xf32>
      %swap3A_523 = vector.shape_cast %sub3A_519 : vector<16xf32> to vector<16xf32>
      tpu.vector_store %arg7[%swap3A_520], %swap3A_523 {add = true, strides = array<i32>} : memref<4096xf32, #tpu.memory_space<vmem>>, vector<16xf32>,
      %add3A_524 = arith.constant 48 : i32
      %add3A_525 = arith.addi %mul3A_484, %add3A_524 : i32
      %get3A_526 = arith.index_cast %add3A_525 : i32 to index
      %get3A_527 = tpu.vector_load %arg6[%get3A_526] {strides = array<i32>} : memref<8192xf32, #tpu.memory_space<vmem>>, vector<16xf32>,
      %get3A_528 = vector.shape_cast %get3A_527 : vector<16xf32> to vector<16xf32>
      %add3A_529 = arith.constant 48 : i32
      %add3A_530 = arith.addi %mul3A_476, %add3A_529 : i32
      %sub3A_531 = vector.broadcast %squeeze3A_478 : f32 to vector<16xf32>
      %sub3A_532 = arith.subf %get3A_528, %sub3A_531 : vector<16xf32>
      %swap3A_533 = arith.index_cast %add3A_530 : i32 to index
      %swap3A_534 = tpu.vector_load %arg7[%swap3A_533] {strides = array<i32>} : memref<4096xf32, #tpu.memory_space<vmem>>, vector<16xf32>,
      %swap3A_535 = vector.shape_cast %swap3A_534 : vector<16xf32> to vector<16xf32>
      %swap3A_536 = vector.shape_cast %sub3A_532 : vector<16xf32> to vector<16xf32>
      tpu.vector_store %arg7[%swap3A_533], %swap3A_536 {add = true, strides = array<i32>} : memref<4096xf32, #tpu.memory_space<vmem>>, vector<16xf32>,
      %slice3A_537 = vector.extract_strided_slice %get3A_20 {offsets = [8], sizes = [1], strides = [1]} : vector<16xi32> to vector<1xi32>
      %squeeze3A_538 = vector.extract %slice3A_537[0] : i32 from vector<1xi32>
      %mul3A_539 = arith.constant 64 : i32
      %mul3A_540 = arith.muli %squeeze3A_538, %mul3A_539 : i32
      %slice3A_541 = vector.extract_strided_slice %mul3A_28 {offsets = [8], sizes = [1], strides = [1]} : vector<16xf32> to vector<1xf32>
      %squeeze3A_542 = vector.extract %slice3A_541[0] : f32 from vector<1xf32>
      %mul3A_543 = arith.constant 16 : i32
      %mul3A_544 = arith.muli %scan3A_15, %mul3A_543 : i32
      %add3A_545 = arith.constant 8 : i32
      %add3A_546 = arith.addi %mul3A_544, %add3A_545 : i32
      %mul3A_547 = arith.constant 64 : i32
      %mul3A_548 = arith.muli %add3A_546, %mul3A_547 : i32
      %add3A_549 = arith.constant 0 : i32
      %add3A_550 = arith.addi %mul3A_548, %add3A_549 : i32
      %get3A_551 = arith.index_cast %add3A_550 : i32 to index
      %get3A_552 = tpu.vector_load %arg6[%get3A_551] {strides = array<i32>} : memref<8192xf32, #tpu.memory_space<vmem>>, vector<16xf32>,
      %get3A_553 = vector.shape_cast %get3A_552 : vector<16xf32> to vector<16xf32>
      %add3A_554 = arith.constant 0 : i32
      %add3A_555 = arith.addi %mul3A_540, %add3A_554 : i32
      %sub3A_556 = vector.broadcast %squeeze3A_542 : f32 to vector<16xf32>
      %sub3A_557 = arith.subf %get3A_553, %sub3A_556 : vector<16xf32>
      %swap3A_558 = arith.index_cast %add3A_555 : i32 to index
      %swap3A_559 = tpu.vector_load %arg7[%swap3A_558] {strides = array<i32>} : memref<4096xf32, #tpu.memory_space<vmem>>, vector<16xf32>,
      %swap3A_560 = vector.shape_cast %swap3A_559 : vector<16xf32> to vector<16xf32>
      %swap3A_561 = vector.shape_cast %sub3A_557 : vector<16xf32> to vector<16xf32>
      tpu.vector_store %arg7[%swap3A_558], %swap3A_561 {add = true, strides = array<i32>} : memref<4096xf32, #tpu.memory_space<vmem>>, vector<16xf32>,
      %add3A_562 = arith.constant 16 : i32
      %add3A_563 = arith.addi %mul3A_548, %add3A_562 : i32
      %get3A_564 = arith.index_cast %add3A_563 : i32 to index
      %get3A_565 = tpu.vector_load %arg6[%get3A_564] {strides = array<i32>} : memref<8192xf32, #tpu.memory_space<vmem>>, vector<16xf32>,
      %get3A_566 = vector.shape_cast %get3A_565 : vector<16xf32> to vector<16xf32>
      %add3A_567 = arith.constant 16 : i32
      %add3A_568 = arith.addi %mul3A_540, %add3A_567 : i32
      %sub3A_569 = vector.broadcast %squeeze3A_542 : f32 to vector<16xf32>
      %sub3A_570 = arith.subf %get3A_566, %sub3A_569 : vector<16xf32>
      %swap3A_571 = arith.index_cast %add3A_568 : i32 to index
      %swap3A_572 = tpu.vector_load %arg7[%swap3A_571] {strides = array<i32>} : memref<4096xf32, #tpu.memory_space<vmem>>, vector<16xf32>,
      %swap3A_573 = vector.shape_cast %swap3A_572 : vector<16xf32> to vector<16xf32>
      %swap3A_574 = vector.shape_cast %sub3A_570 : vector<16xf32> to vector<16xf32>
      tpu.vector_store %arg7[%swap3A_571], %swap3A_574 {add = true, strides = array<i32>} : memref<4096xf32, #tpu.memory_space<vmem>>, vector<16xf32>,
      %add3A_575 = arith.constant 32 : i32
      %add3A_576 = arith.addi %mul3A_548, %add3A_575 : i32
      %get3A_577 = arith.index_cast %add3A_576 : i32 to index
      %get3A_578 = tpu.vector_load %arg6[%get3A_577] {strides = array<i32>} : memref<8192xf32, #tpu.memory_space<vmem>>, vector<16xf32>,
      %get3A_579 = vector.shape_cast %get3A_578 : vector<16xf32> to vector<16xf32>
      %add3A_580 = arith.constant 32 : i32
      %add3A_581 = arith.addi %mul3A_540, %add3A_580 : i32
      %sub3A_582 = vector.broadcast %squeeze3A_542 : f32 to vector<16xf32>
      %sub3A_583 = arith.subf %get3A_579, %sub3A_582 : vector<16xf32>
      %swap3A_584 = arith.index_cast %add3A_581 : i32 to index
      %swap3A_585 = tpu.vector_load %arg7[%swap3A_584] {strides = array<i32>} : memref<4096xf32, #tpu.memory_space<vmem>>, vector<16xf32>,
      %swap3A_586 = vector.shape_cast %swap3A_585 : vector<16xf32> to vector<16xf32>
      %swap3A_587 = vector.shape_cast %sub3A_583 : vector<16xf32> to vector<16xf32>
      tpu.vector_store %arg7[%swap3A_584], %swap3A_587 {add = true, strides = array<i32>} : memref<4096xf32, #tpu.memory_space<vmem>>, vector<16xf32>,
      %add3A_588 = arith.constant 48 : i32
      %add3A_589 = arith.addi %mul3A_548, %add3A_588 : i32
      %get3A_590 = arith.index_cast %add3A_589 : i32 to index
      %get3A_591 = tpu.vector_load %arg6[%get3A_590] {strides = array<i32>} : memref<8192xf32, #tpu.memory_space<vmem>>, vector<16xf32>,
      %get3A_592 = vector.shape_cast %get3A_591 : vector<16xf32> to vector<16xf32>
      %add3A_593 = arith.constant 48 : i32
      %add3A_594 = arith.addi %mul3A_540, %add3A_593 : i32
      %sub3A_595 = vector.broadcast %squeeze3A_542 : f32 to vector<16xf32>
      %sub3A_596 = arith.subf %get3A_592, %sub3A_595 : vector<16xf32>
      %swap3A_597 = arith.index_cast %add3A_594 : i32 to index
      %swap3A_598 = tpu.vector_load %arg7[%swap3A_597] {strides = array<i32>} : memref<4096xf32, #tpu.memory_space<vmem>>, vector<16xf32>,
      %swap3A_599 = vector.shape_cast %swap3A_598 : vector<16xf32> to vector<16xf32>
      %swap3A_600 = vector.shape_cast %sub3A_596 : vector<16xf32> to vector<16xf32>
      tpu.vector_store %arg7[%swap3A_597], %swap3A_600 {add = true, strides = array<i32>} : memref<4096xf32, #tpu.memory_space<vmem>>, vector<16xf32>,
      %slice3A_601 = vector.extract_strided_slice %get3A_20 {offsets = [9], sizes = [1], strides = [1]} : vector<16xi32> to vector<1xi32>
      %squeeze3A_602 = vector.extract %slice3A_601[0] : i32 from vector<1xi32>
      %mul3A_603 = arith.constant 64 : i32
      %mul3A_604 = arith.muli %squeeze3A_602, %mul3A_603 : i32
      %slice3A_605 = vector.extract_strided_slice %mul3A_28 {offsets = [9], sizes = [1], strides = [1]} : vector<16xf32> to vector<1xf32>
      %squeeze3A_606 = vector.extract %slice3A_605[0] : f32 from vector<1xf32>
      %mul3A_607 = arith.constant 16 : i32
      %mul3A_608 = arith.muli %scan3A_15, %mul3A_607 : i32
      %add3A_609 = arith.constant 9 : i32
      %add3A_610 = arith.addi %mul3A_608, %add3A_609 : i32
      %mul3A_611 = arith.constant 64 : i32
      %mul3A_612 = arith.muli %add3A_610, %mul3A_611 : i32
      %add3A_613 = arith.constant 0 : i32
      %add3A_614 = arith.addi %mul3A_612, %add3A_613 : i32
      %get3A_615 = arith.index_cast %add3A_614 : i32 to index
      %get3A_616 = tpu.vector_load %arg6[%get3A_615] {strides = array<i32>} : memref<8192xf32, #tpu.memory_space<vmem>>, vector<16xf32>,
      %get3A_617 = vector.shape_cast %get3A_616 : vector<16xf32> to vector<16xf32>
      %add3A_618 = arith.constant 0 : i32
      %add3A_619 = arith.addi %mul3A_604, %add3A_618 : i32
      %sub3A_620 = vector.broadcast %squeeze3A_606 : f32 to vector<16xf32>
      %sub3A_621 = arith.subf %get3A_617, %sub3A_620 : vector<16xf32>
      %swap3A_622 = arith.index_cast %add3A_619 : i32 to index
      %swap3A_623 = tpu.vector_load %arg7[%swap3A_622] {strides = array<i32>} : memref<4096xf32, #tpu.memory_space<vmem>>, vector<16xf32>,
      %swap3A_624 = vector.shape_cast %swap3A_623 : vector<16xf32> to vector<16xf32>
      %swap3A_625 = vector.shape_cast %sub3A_621 : vector<16xf32> to vector<16xf32>
      tpu.vector_store %arg7[%swap3A_622], %swap3A_625 {add = true, strides = array<i32>} : memref<4096xf32, #tpu.memory_space<vmem>>, vector<16xf32>,
      %add3A_626 = arith.constant 16 : i32
      %add3A_627 = arith.addi %mul3A_612, %add3A_626 : i32
      %get3A_628 = arith.index_cast %add3A_627 : i32 to index
      %get3A_629 = tpu.vector_load %arg6[%get3A_628] {strides = array<i32>} : memref<8192xf32, #tpu.memory_space<vmem>>, vector<16xf32>,
      %get3A_630 = vector.shape_cast %get3A_629 : vector<16xf32> to vector<16xf32>
      %add3A_631 = arith.constant 16 : i32
      %add3A_632 = arith.addi %mul3A_604, %add3A_631 : i32
      %sub3A_633 = vector.broadcast %squeeze3A_606 : f32 to vector<16xf32>
      %sub3A_634 = arith.subf %get3A_630, %sub3A_633 : vector<16xf32>
      %swap3A_635 = arith.index_cast %add3A_632 : i32 to index
      %swap3A_636 = tpu.vector_load %arg7[%swap3A_635] {strides = array<i32>} : memref<4096xf32, #tpu.memory_space<vmem>>, vector<16xf32>,
      %swap3A_637 = vector.shape_cast %swap3A_636 : vector<16xf32> to vector<16xf32>
      %swap3A_638 = vector.shape_cast %sub3A_634 : vector<16xf32> to vector<16xf32>
      tpu.vector_store %arg7[%swap3A_635], %swap3A_638 {add = true, strides = array<i32>} : memref<4096xf32, #tpu.memory_space<vmem>>, vector<16xf32>,
      %add3A_639 = arith.constant 32 : i32
      %add3A_640 = arith.addi %mul3A_612, %add3A_639 : i32
      %get3A_641 = arith.index_cast %add3A_640 : i32 to index
      %get3A_642 = tpu.vector_load %arg6[%get3A_641] {strides = array<i32>} : memref<8192xf32, #tpu.memory_space<vmem>>, vector<16xf32>,
      %get3A_643 = vector.shape_cast %get3A_642 : vector<16xf32> to vector<16xf32>
      %add3A_644 = arith.constant 32 : i32
      %add3A_645 = arith.addi %mul3A_604, %add3A_644 : i32
      %sub3A_646 = vector.broadcast %squeeze3A_606 : f32 to vector<16xf32>
      %sub3A_647 = arith.subf %get3A_643, %sub3A_646 : vector<16xf32>
      %swap3A_648 = arith.index_cast %add3A_645 : i32 to index
      %swap3A_649 = tpu.vector_load %arg7[%swap3A_648] {strides = array<i32>} : memref<4096xf32, #tpu.memory_space<vmem>>, vector<16xf32>,
      %swap3A_650 = vector.shape_cast %swap3A_649 : vector<16xf32> to vector<16xf32>
      %swap3A_651 = vector.shape_cast %sub3A_647 : vector<16xf32> to vector<16xf32>
      tpu.vector_store %arg7[%swap3A_648], %swap3A_651 {add = true, strides = array<i32>} : memref<4096xf32, #tpu.memory_space<vmem>>, vector<16xf32>,
      %add3A_652 = arith.constant 48 : i32
      %add3A_653 = arith.addi %mul3A_612, %add3A_652 : i32
      %get3A_654 = arith.index_cast %add3A_653 : i32 to index
      %get3A_655 = tpu.vector_load %arg6[%get3A_654] {strides = array<i32>} : memref<8192xf32, #tpu.memory_space<vmem>>, vector<16xf32>,
      %get3A_656 = vector.shape_cast %get3A_655 : vector<16xf32> to vector<16xf32>
      %add3A_657 = arith.constant 48 : i32
      %add3A_658 = arith.addi %mul3A_604, %add3A_657 : i32
      %sub3A_659 = vector.broadcast %squeeze3A_606 : f32 to vector<16xf32>
      %sub3A_660 = arith.subf %get3A_656, %sub3A_659 : vector<16xf32>
      %swap3A_661 = arith.index_cast %add3A_658 : i32 to index
      %swap3A_662 = tpu.vector_load %arg7[%swap3A_661] {strides = array<i32>} : memref<4096xf32, #tpu.memory_space<vmem>>, vector<16xf32>,
      %swap3A_663 = vector.shape_cast %swap3A_662 : vector<16xf32> to vector<16xf32>
      %swap3A_664 = vector.shape_cast %sub3A_660 : vector<16xf32> to vector<16xf32>
      tpu.vector_store %arg7[%swap3A_661], %swap3A_664 {add = true, strides = array<i32>} : memref<4096xf32, #tpu.memory_space<vmem>>, vector<16xf32>,
      %slice3A_665 = vector.extract_strided_slice %get3A_20 {offsets = [10], sizes = [1], strides = [1]} : vector<16xi32> to vector<1xi32>
      %squeeze3A_666 = vector.extract %slice3A_665[0] : i32 from vector<1xi32>
      %mul3A_667 = arith.constant 64 : i32
      %mul3A_668 = arith.muli %squeeze3A_666, %mul3A_667 : i32
      %slice3A_669 = vector.extract_strided_slice %mul3A_28 {offsets = [10], sizes = [1], strides = [1]} : vector<16xf32> to vector<1xf32>
      %squeeze3A_670 = vector.extract %slice3A_669[0] : f32 from vector<1xf32>
      %mul3A_671 = arith.constant 16 : i32
      %mul3A_672 = arith.muli %scan3A_15, %mul3A_671 : i32
      %add3A_673 = arith.constant 10 : i32
      %add3A_674 = arith.addi %mul3A_672, %add3A_673 : i32
      %mul3A_675 = arith.constant 64 : i32
      %mul3A_676 = arith.muli %add3A_674, %mul3A_675 : i32
      %add3A_677 = arith.constant 0 : i32
      %add3A_678 = arith.addi %mul3A_676, %add3A_677 : i32
      %get3A_679 = arith.index_cast %add3A_678 : i32 to index
      %get3A_680 = tpu.vector_load %arg6[%get3A_679] {strides = array<i32>} : memref<8192xf32, #tpu.memory_space<vmem>>, vector<16xf32>,
      %get3A_681 = vector.shape_cast %get3A_680 : vector<16xf32> to vector<16xf32>
      %add3A_682 = arith.constant 0 : i32
      %add3A_683 = arith.addi %mul3A_668, %add3A_682 : i32
      %sub3A_684 = vector.broadcast %squeeze3A_670 : f32 to vector<16xf32>
      %sub3A_685 = arith.subf %get3A_681, %sub3A_684 : vector<16xf32>
      %swap3A_686 = arith.index_cast %add3A_683 : i32 to index
      %swap3A_687 = tpu.vector_load %arg7[%swap3A_686] {strides = array<i32>} : memref<4096xf32, #tpu.memory_space<vmem>>, vector<16xf32>,
      %swap3A_688 = vector.shape_cast %swap3A_687 : vector<16xf32> to vector<16xf32>
      %swap3A_689 = vector.shape_cast %sub3A_685 : vector<16xf32> to vector<16xf32>
      tpu.vector_store %arg7[%swap3A_686], %swap3A_689 {add = true, strides = array<i32>} : memref<4096xf32, #tpu.memory_space<vmem>>, vector<16xf32>,
      %add3A_690 = arith.constant 16 : i32
      %add3A_691 = arith.addi %mul3A_676, %add3A_690 : i32
      %get3A_692 = arith.index_cast %add3A_691 : i32 to index
      %get3A_693 = tpu.vector_load %arg6[%get3A_692] {strides = array<i32>} : memref<8192xf32, #tpu.memory_space<vmem>>, vector<16xf32>,
      %get3A_694 = vector.shape_cast %get3A_693 : vector<16xf32> to vector<16xf32>
      %add3A_695 = arith.constant 16 : i32
      %add3A_696 = arith.addi %mul3A_668, %add3A_695 : i32
      %sub3A_697 = vector.broadcast %squeeze3A_670 : f32 to vector<16xf32>
      %sub3A_698 = arith.subf %get3A_694, %sub3A_697 : vector<16xf32>
      %swap3A_699 = arith.index_cast %add3A_696 : i32 to index
      %swap3A_700 = tpu.vector_load %arg7[%swap3A_699] {strides = array<i32>} : memref<4096xf32, #tpu.memory_space<vmem>>, vector<16xf32>,
      %swap3A_701 = vector.shape_cast %swap3A_700 : vector<16xf32> to vector<16xf32>
      %swap3A_702 = vector.shape_cast %sub3A_698 : vector<16xf32> to vector<16xf32>
      tpu.vector_store %arg7[%swap3A_699], %swap3A_702 {add = true, strides = array<i32>} : memref<4096xf32, #tpu.memory_space<vmem>>, vector<16xf32>,
      %add3A_703 = arith.constant 32 : i32
      %add3A_704 = arith.addi %mul3A_676, %add3A_703 : i32
      %get3A_705 = arith.index_cast %add3A_704 : i32 to index
      %get3A_706 = tpu.vector_load %arg6[%get3A_705] {strides = array<i32>} : memref<8192xf32, #tpu.memory_space<vmem>>, vector<16xf32>,
      %get3A_707 = vector.shape_cast %get3A_706 : vector<16xf32> to vector<16xf32>
      %add3A_708 = arith.constant 32 : i32
      %add3A_709 = arith.addi %mul3A_668, %add3A_708 : i32
      %sub3A_710 = vector.broadcast %squeeze3A_670 : f32 to vector<16xf32>
      %sub3A_711 = arith.subf %get3A_707, %sub3A_710 : vector<16xf32>
      %swap3A_712 = arith.index_cast %add3A_709 : i32 to index
      %swap3A_713 = tpu.vector_load %arg7[%swap3A_712] {strides = array<i32>} : memref<4096xf32, #tpu.memory_space<vmem>>, vector<16xf32>,
      %swap3A_714 = vector.shape_cast %swap3A_713 : vector<16xf32> to vector<16xf32>
      %swap3A_715 = vector.shape_cast %sub3A_711 : vector<16xf32> to vector<16xf32>
      tpu.vector_store %arg7[%swap3A_712], %swap3A_715 {add = true, strides = array<i32>} : memref<4096xf32, #tpu.memory_space<vmem>>, vector<16xf32>,
      %add3A_716 = arith.constant 48 : i32
      %add3A_717 = arith.addi %mul3A_676, %add3A_716 : i32
      %get3A_718 = arith.index_cast %add3A_717 : i32 to index
      %get3A_719 = tpu.vector_load %arg6[%get3A_718] {strides = array<i32>} : memref<8192xf32, #tpu.memory_space<vmem>>, vector<16xf32>,
      %get3A_720 = vector.shape_cast %get3A_719 : vector<16xf32> to vector<16xf32>
      %add3A_721 = arith.constant 48 : i32
      %add3A_722 = arith.addi %mul3A_668, %add3A_721 : i32
      %sub3A_723 = vector.broadcast %squeeze3A_670 : f32 to vector<16xf32>
      %sub3A_724 = arith.subf %get3A_720, %sub3A_723 : vector<16xf32>
      %swap3A_725 = arith.index_cast %add3A_722 : i32 to index
      %swap3A_726 = tpu.vector_load %arg7[%swap3A_725] {strides = array<i32>} : memref<4096xf32, #tpu.memory_space<vmem>>, vector<16xf32>,
      %swap3A_727 = vector.shape_cast %swap3A_726 : vector<16xf32> to vector<16xf32>
      %swap3A_728 = vector.shape_cast %sub3A_724 : vector<16xf32> to vector<16xf32>
      tpu.vector_store %arg7[%swap3A_725], %swap3A_728 {add = true, strides = array<i32>} : memref<4096xf32, #tpu.memory_space<vmem>>, vector<16xf32>,
      %slice3A_729 = vector.extract_strided_slice %get3A_20 {offsets = [11], sizes = [1], strides = [1]} : vector<16xi32> to vector<1xi32>
      %squeeze3A_730 = vector.extract %slice3A_729[0] : i32 from vector<1xi32>
      %mul3A_731 = arith.constant 64 : i32
      %mul3A_732 = arith.muli %squeeze3A_730, %mul3A_731 : i32
      %slice3A_733 = vector.extract_strided_slice %mul3A_28 {offsets = [11], sizes = [1], strides = [1]} : vector<16xf32> to vector<1xf32>
      %squeeze3A_734 = vector.extract %slice3A_733[0] : f32 from vector<1xf32>
      %mul3A_735 = arith.constant 16 : i32
      %mul3A_736 = arith.muli %scan3A_15, %mul3A_735 : i32
      %add3A_737 = arith.constant 11 : i32
      %add3A_738 = arith.addi %mul3A_736, %add3A_737 : i32
      %mul3A_739 = arith.constant 64 : i32
      %mul3A_740 = arith.muli %add3A_738, %mul3A_739 : i32
      %add3A_741 = arith.constant 0 : i32
      %add3A_742 = arith.addi %mul3A_740, %add3A_741 : i32
      %get3A_743 = arith.index_cast %add3A_742 : i32 to index
      %get3A_744 = tpu.vector_load %arg6[%get3A_743] {strides = array<i32>} : memref<8192xf32, #tpu.memory_space<vmem>>, vector<16xf32>,
      %get3A_745 = vector.shape_cast %get3A_744 : vector<16xf32> to vector<16xf32>
      %add3A_746 = arith.constant 0 : i32
      %add3A_747 = arith.addi %mul3A_732, %add3A_746 : i32
      %sub3A_748 = vector.broadcast %squeeze3A_734 : f32 to vector<16xf32>
      %sub3A_749 = arith.subf %get3A_745, %sub3A_748 : vector<16xf32>
      %swap3A_750 = arith.index_cast %add3A_747 : i32 to index
      %swap3A_751 = tpu.vector_load %arg7[%swap3A_750] {strides = array<i32>} : memref<4096xf32, #tpu.memory_space<vmem>>, vector<16xf32>,
      %swap3A_752 = vector.shape_cast %swap3A_751 : vector<16xf32> to vector<16xf32>
      %swap3A_753 = vector.shape_cast %sub3A_749 : vector<16xf32> to vector<16xf32>
      tpu.vector_store %arg7[%swap3A_750], %swap3A_753 {add = true, strides = array<i32>} : memref<4096xf32, #tpu.memory_space<vmem>>, vector<16xf32>,
      %add3A_754 = arith.constant 16 : i32
      %add3A_755 = arith.addi %mul3A_740, %add3A_754 : i32
      %get3A_756 = arith.index_cast %add3A_755 : i32 to index
      %get3A_757 = tpu.vector_load %arg6[%get3A_756] {strides = array<i32>} : memref<8192xf32, #tpu.memory_space<vmem>>, vector<16xf32>,
      %get3A_758 = vector.shape_cast %get3A_757 : vector<16xf32> to vector<16xf32>
      %add3A_759 = arith.constant 16 : i32
      %add3A_760 = arith.addi %mul3A_732, %add3A_759 : i32
      %sub3A_761 = vector.broadcast %squeeze3A_734 : f32 to vector<16xf32>
      %sub3A_762 = arith.subf %get3A_758, %sub3A_761 : vector<16xf32>
      %swap3A_763 = arith.index_cast %add3A_760 : i32 to index
      %swap3A_764 = tpu.vector_load %arg7[%swap3A_763] {strides = array<i32>} : memref<4096xf32, #tpu.memory_space<vmem>>, vector<16xf32>,
      %swap3A_765 = vector.shape_cast %swap3A_764 : vector<16xf32> to vector<16xf32>
      %swap3A_766 = vector.shape_cast %sub3A_762 : vector<16xf32> to vector<16xf32>
      tpu.vector_store %arg7[%swap3A_763], %swap3A_766 {add = true, strides = array<i32>} : memref<4096xf32, #tpu.memory_space<vmem>>, vector<16xf32>,
      %add3A_767 = arith.constant 32 : i32
      %add3A_768 = arith.addi %mul3A_740, %add3A_767 : i32
      %get3A_769 = arith.index_cast %add3A_768 : i32 to index
      %get3A_770 = tpu.vector_load %arg6[%get3A_769] {strides = array<i32>} : memref<8192xf32, #tpu.memory_space<vmem>>, vector<16xf32>,
      %get3A_771 = vector.shape_cast %get3A_770 : vector<16xf32> to vector<16xf32>
      %add3A_772 = arith.constant 32 : i32
      %add3A_773 = arith.addi %mul3A_732, %add3A_772 : i32
      %sub3A_774 = vector.broadcast %squeeze3A_734 : f32 to vector<16xf32>
      %sub3A_775 = arith.subf %get3A_771, %sub3A_774 : vector<16xf32>
      %swap3A_776 = arith.index_cast %add3A_773 : i32 to index
      %swap3A_777 = tpu.vector_load %arg7[%swap3A_776] {strides = array<i32>} : memref<4096xf32, #tpu.memory_space<vmem>>, vector<16xf32>,
      %swap3A_778 = vector.shape_cast %swap3A_777 : vector<16xf32> to vector<16xf32>
      %swap3A_779 = vector.shape_cast %sub3A_775 : vector<16xf32> to vector<16xf32>
      tpu.vector_store %arg7[%swap3A_776], %swap3A_779 {add = true, strides = array<i32>} : memref<4096xf32, #tpu.memory_space<vmem>>, vector<16xf32>,
      %add3A_780 = arith.constant 48 : i32
      %add3A_781 = arith.addi %mul3A_740, %add3A_780 : i32
      %get3A_782 = arith.index_cast %add3A_781 : i32 to index
      %get3A_783 = tpu.vector_load %arg6[%get3A_782] {strides = array<i32>} : memref<8192xf32, #tpu.memory_space<vmem>>, vector<16xf32>,
      %get3A_784 = vector.shape_cast %get3A_783 : vector<16xf32> to vector<16xf32>
      %add3A_785 = arith.constant 48 : i32
      %add3A_786 = arith.addi %mul3A_732, %add3A_785 : i32
      %sub3A_787 = vector.broadcast %squeeze3A_734 : f32 to vector<16xf32>
      %sub3A_788 = arith.subf %get3A_784, %sub3A_787 : vector<16xf32>
      %swap3A_789 = arith.index_cast %add3A_786 : i32 to index
      %swap3A_790 = tpu.vector_load %arg7[%swap3A_789] {strides = array<i32>} : memref<4096xf32, #tpu.memory_space<vmem>>, vector<16xf32>,
      %swap3A_791 = vector.shape_cast %swap3A_790 : vector<16xf32> to vector<16xf32>
      %swap3A_792 = vector.shape_cast %sub3A_788 : vector<16xf32> to vector<16xf32>
      tpu.vector_store %arg7[%swap3A_789], %swap3A_792 {add = true, strides = array<i32>} : memref<4096xf32, #tpu.memory_space<vmem>>, vector<16xf32>,
      %slice3A_793 = vector.extract_strided_slice %get3A_20 {offsets = [12], sizes = [1], strides = [1]} : vector<16xi32> to vector<1xi32>
      %squeeze3A_794 = vector.extract %slice3A_793[0] : i32 from vector<1xi32>
      %mul3A_795 = arith.constant 64 : i32
      %mul3A_796 = arith.muli %squeeze3A_794, %mul3A_795 : i32
      %slice3A_797 = vector.extract_strided_slice %mul3A_28 {offsets = [12], sizes = [1], strides = [1]} : vector<16xf32> to vector<1xf32>
      %squeeze3A_798 = vector.extract %slice3A_797[0] : f32 from vector<1xf32>
      %mul3A_799 = arith.constant 16 : i32
      %mul3A_800 = arith.muli %scan3A_15, %mul3A_799 : i32
      %add3A_801 = arith.constant 12 : i32
      %add3A_802 = arith.addi %mul3A_800, %add3A_801 : i32
      %mul3A_803 = arith.constant 64 : i32
      %mul3A_804 = arith.muli %add3A_802, %mul3A_803 : i32
      %add3A_805 = arith.constant 0 : i32
      %add3A_806 = arith.addi %mul3A_804, %add3A_805 : i32
      %get3A_807 = arith.index_cast %add3A_806 : i32 to index
      %get3A_808 = tpu.vector_load %arg6[%get3A_807] {strides = array<i32>} : memref<8192xf32, #tpu.memory_space<vmem>>, vector<16xf32>,
      %get3A_809 = vector.shape_cast %get3A_808 : vector<16xf32> to vector<16xf32>
      %add3A_810 = arith.constant 0 : i32
      %add3A_811 = arith.addi %mul3A_796, %add3A_810 : i32
      %sub3A_812 = vector.broadcast %squeeze3A_798 : f32 to vector<16xf32>
      %sub3A_813 = arith.subf %get3A_809, %sub3A_812 : vector<16xf32>
      %swap3A_814 = arith.index_cast %add3A_811 : i32 to index
      %swap3A_815 = tpu.vector_load %arg7[%swap3A_814] {strides = array<i32>} : memref<4096xf32, #tpu.memory_space<vmem>>, vector<16xf32>,
      %swap3A_816 = vector.shape_cast %swap3A_815 : vector<16xf32> to vector<16xf32>
      %swap3A_817 = vector.shape_cast %sub3A_813 : vector<16xf32> to vector<16xf32>
      tpu.vector_store %arg7[%swap3A_814], %swap3A_817 {add = true, strides = array<i32>} : memref<4096xf32, #tpu.memory_space<vmem>>, vector<16xf32>,
      %add3A_818 = arith.constant 16 : i32
      %add3A_819 = arith.addi %mul3A_804, %add3A_818 : i32
      %get3A_820 = arith.index_cast %add3A_819 : i32 to index
      %get3A_821 = tpu.vector_load %arg6[%get3A_820] {strides = array<i32>} : memref<8192xf32, #tpu.memory_space<vmem>>, vector<16xf32>,
      %get3A_822 = vector.shape_cast %get3A_821 : vector<16xf32> to vector<16xf32>
      %add3A_823 = arith.constant 16 : i32
      %add3A_824 = arith.addi %mul3A_796, %add3A_823 : i32
      %sub3A_825 = vector.broadcast %squeeze3A_798 : f32 to vector<16xf32>
      %sub3A_826 = arith.subf %get3A_822, %sub3A_825 : vector<16xf32>
      %swap3A_827 = arith.index_cast %add3A_824 : i32 to index
      %swap3A_828 = tpu.vector_load %arg7[%swap3A_827] {strides = array<i32>} : memref<4096xf32, #tpu.memory_space<vmem>>, vector<16xf32>,
      %swap3A_829 = vector.shape_cast %swap3A_828 : vector<16xf32> to vector<16xf32>
      %swap3A_830 = vector.shape_cast %sub3A_826 : vector<16xf32> to vector<16xf32>
      tpu.vector_store %arg7[%swap3A_827], %swap3A_830 {add = true, strides = array<i32>} : memref<4096xf32, #tpu.memory_space<vmem>>, vector<16xf32>,
      %add3A_831 = arith.constant 32 : i32
      %add3A_832 = arith.addi %mul3A_804, %add3A_831 : i32
      %get3A_833 = arith.index_cast %add3A_832 : i32 to index
      %get3A_834 = tpu.vector_load %arg6[%get3A_833] {strides = array<i32>} : memref<8192xf32, #tpu.memory_space<vmem>>, vector<16xf32>,
      %get3A_835 = vector.shape_cast %get3A_834 : vector<16xf32> to vector<16xf32>
      %add3A_836 = arith.constant 32 : i32
      %add3A_837 = arith.addi %mul3A_796, %add3A_836 : i32
      %sub3A_838 = vector.broadcast %squeeze3A_798 : f32 to vector<16xf32>
      %sub3A_839 = arith.subf %get3A_835, %sub3A_838 : vector<16xf32>
      %swap3A_840 = arith.index_cast %add3A_837 : i32 to index
      %swap3A_841 = tpu.vector_load %arg7[%swap3A_840] {strides = array<i32>} : memref<4096xf32, #tpu.memory_space<vmem>>, vector<16xf32>,
      %swap3A_842 = vector.shape_cast %swap3A_841 : vector<16xf32> to vector<16xf32>
      %swap3A_843 = vector.shape_cast %sub3A_839 : vector<16xf32> to vector<16xf32>
      tpu.vector_store %arg7[%swap3A_840], %swap3A_843 {add = true, strides = array<i32>} : memref<4096xf32, #tpu.memory_space<vmem>>, vector<16xf32>,
      %add3A_844 = arith.constant 48 : i32
      %add3A_845 = arith.addi %mul3A_804, %add3A_844 : i32
      %get3A_846 = arith.index_cast %add3A_845 : i32 to index
      %get3A_847 = tpu.vector_load %arg6[%get3A_846] {strides = array<i32>} : memref<8192xf32, #tpu.memory_space<vmem>>, vector<16xf32>,
      %get3A_848 = vector.shape_cast %get3A_847 : vector<16xf32> to vector<16xf32>
      %add3A_849 = arith.constant 48 : i32
      %add3A_850 = arith.addi %mul3A_796, %add3A_849 : i32
      %sub3A_851 = vector.broadcast %squeeze3A_798 : f32 to vector<16xf32>
      %sub3A_852 = arith.subf %get3A_848, %sub3A_851 : vector<16xf32>
      %swap3A_853 = arith.index_cast %add3A_850 : i32 to index
      %swap3A_854 = tpu.vector_load %arg7[%swap3A_853] {strides = array<i32>} : memref<4096xf32, #tpu.memory_space<vmem>>, vector<16xf32>,
      %swap3A_855 = vector.shape_cast %swap3A_854 : vector<16xf32> to vector<16xf32>
      %swap3A_856 = vector.shape_cast %sub3A_852 : vector<16xf32> to vector<16xf32>
      tpu.vector_store %arg7[%swap3A_853], %swap3A_856 {add = true, strides = array<i32>} : memref<4096xf32, #tpu.memory_space<vmem>>, vector<16xf32>,
      %slice3A_857 = vector.extract_strided_slice %get3A_20 {offsets = [13], sizes = [1], strides = [1]} : vector<16xi32> to vector<1xi32>
      %squeeze3A_858 = vector.extract %slice3A_857[0] : i32 from vector<1xi32>
      %mul3A_859 = arith.constant 64 : i32
      %mul3A_860 = arith.muli %squeeze3A_858, %mul3A_859 : i32
      %slice3A_861 = vector.extract_strided_slice %mul3A_28 {offsets = [13], sizes = [1], strides = [1]} : vector<16xf32> to vector<1xf32>
      %squeeze3A_862 = vector.extract %slice3A_861[0] : f32 from vector<1xf32>
      %mul3A_863 = arith.constant 16 : i32
      %mul3A_864 = arith.muli %scan3A_15, %mul3A_863 : i32
      %add3A_865 = arith.constant 13 : i32
      %add3A_866 = arith.addi %mul3A_864, %add3A_865 : i32
      %mul3A_867 = arith.constant 64 : i32
      %mul3A_868 = arith.muli %add3A_866, %mul3A_867 : i32
      %add3A_869 = arith.constant 0 : i32
      %add3A_870 = arith.addi %mul3A_868, %add3A_869 : i32
      %get3A_871 = arith.index_cast %add3A_870 : i32 to index
      %get3A_872 = tpu.vector_load %arg6[%get3A_871] {strides = array<i32>} : memref<8192xf32, #tpu.memory_space<vmem>>, vector<16xf32>,
      %get3A_873 = vector.shape_cast %get3A_872 : vector<16xf32> to vector<16xf32>
      %add3A_874 = arith.constant 0 : i32
      %add3A_875 = arith.addi %mul3A_860, %add3A_874 : i32
      %sub3A_876 = vector.broadcast %squeeze3A_862 : f32 to vector<16xf32>
      %sub3A_877 = arith.subf %get3A_873, %sub3A_876 : vector<16xf32>
      %swap3A_878 = arith.index_cast %add3A_875 : i32 to index
      %swap3A_879 = tpu.vector_load %arg7[%swap3A_878] {strides = array<i32>} : memref<4096xf32, #tpu.memory_space<vmem>>, vector<16xf32>,
      %swap3A_880 = vector.shape_cast %swap3A_879 : vector<16xf32> to vector<16xf32>
      %swap3A_881 = vector.shape_cast %sub3A_877 : vector<16xf32> to vector<16xf32>
      tpu.vector_store %arg7[%swap3A_878], %swap3A_881 {add = true, strides = array<i32>} : memref<4096xf32, #tpu.memory_space<vmem>>, vector<16xf32>,
      %add3A_882 = arith.constant 16 : i32
      %add3A_883 = arith.addi %mul3A_868, %add3A_882 : i32
      %get3A_884 = arith.index_cast %add3A_883 : i32 to index
      %get3A_885 = tpu.vector_load %arg6[%get3A_884] {strides = array<i32>} : memref<8192xf32, #tpu.memory_space<vmem>>, vector<16xf32>,
      %get3A_886 = vector.shape_cast %get3A_885 : vector<16xf32> to vector<16xf32>
      %add3A_887 = arith.constant 16 : i32
      %add3A_888 = arith.addi %mul3A_860, %add3A_887 : i32
      %sub3A_889 = vector.broadcast %squeeze3A_862 : f32 to vector<16xf32>
      %sub3A_890 = arith.subf %get3A_886, %sub3A_889 : vector<16xf32>
      %swap3A_891 = arith.index_cast %add3A_888 : i32 to index
      %swap3A_892 = tpu.vector_load %arg7[%swap3A_891] {strides = array<i32>} : memref<4096xf32, #tpu.memory_space<vmem>>, vector<16xf32>,
      %swap3A_893 = vector.shape_cast %swap3A_892 : vector<16xf32> to vector<16xf32>
      %swap3A_894 = vector.shape_cast %sub3A_890 : vector<16xf32> to vector<16xf32>
      tpu.vector_store %arg7[%swap3A_891], %swap3A_894 {add = true, strides = array<i32>} : memref<4096xf32, #tpu.memory_space<vmem>>, vector<16xf32>,
      %add3A_895 = arith.constant 32 : i32
      %add3A_896 = arith.addi %mul3A_868, %add3A_895 : i32
      %get3A_897 = arith.index_cast %add3A_896 : i32 to index
      %get3A_898 = tpu.vector_load %arg6[%get3A_897] {strides = array<i32>} : memref<8192xf32, #tpu.memory_space<vmem>>, vector<16xf32>,
      %get3A_899 = vector.shape_cast %get3A_898 : vector<16xf32> to vector<16xf32>
      %add3A_900 = arith.constant 32 : i32
      %add3A_901 = arith.addi %mul3A_860, %add3A_900 : i32
      %sub3A_902 = vector.broadcast %squeeze3A_862 : f32 to vector<16xf32>
      %sub3A_903 = arith.subf %get3A_899, %sub3A_902 : vector<16xf32>
      %swap3A_904 = arith.index_cast %add3A_901 : i32 to index
      %swap3A_905 = tpu.vector_load %arg7[%swap3A_904] {strides = array<i32>} : memref<4096xf32, #tpu.memory_space<vmem>>, vector<16xf32>,
      %swap3A_906 = vector.shape_cast %swap3A_905 : vector<16xf32> to vector<16xf32>
      %swap3A_907 = vector.shape_cast %sub3A_903 : vector<16xf32> to vector<16xf32>
      tpu.vector_store %arg7[%swap3A_904], %swap3A_907 {add = true, strides = array<i32>} : memref<4096xf32, #tpu.memory_space<vmem>>, vector<16xf32>,
      %add3A_908 = arith.constant 48 : i32
      %add3A_909 = arith.addi %mul3A_868, %add3A_908 : i32
      %get3A_910 = arith.index_cast %add3A_909 : i32 to index
      %get3A_911 = tpu.vector_load %arg6[%get3A_910] {strides = array<i32>} : memref<8192xf32, #tpu.memory_space<vmem>>, vector<16xf32>,
      %get3A_912 = vector.shape_cast %get3A_911 : vector<16xf32> to vector<16xf32>
      %add3A_913 = arith.constant 48 : i32
      %add3A_914 = arith.addi %mul3A_860, %add3A_913 : i32
      %sub3A_915 = vector.broadcast %squeeze3A_862 : f32 to vector<16xf32>
      %sub3A_916 = arith.subf %get3A_912, %sub3A_915 : vector<16xf32>
      %swap3A_917 = arith.index_cast %add3A_914 : i32 to index
      %swap3A_918 = tpu.vector_load %arg7[%swap3A_917] {strides = array<i32>} : memref<4096xf32, #tpu.memory_space<vmem>>, vector<16xf32>,
      %swap3A_919 = vector.shape_cast %swap3A_918 : vector<16xf32> to vector<16xf32>
      %swap3A_920 = vector.shape_cast %sub3A_916 : vector<16xf32> to vector<16xf32>
      tpu.vector_store %arg7[%swap3A_917], %swap3A_920 {add = true, strides = array<i32>} : memref<4096xf32, #tpu.memory_space<vmem>>, vector<16xf32>,
      %slice3A_921 = vector.extract_strided_slice %get3A_20 {offsets = [14], sizes = [1], strides = [1]} : vector<16xi32> to vector<1xi32>
      %squeeze3A_922 = vector.extract %slice3A_921[0] : i32 from vector<1xi32>
      %mul3A_923 = arith.constant 64 : i32
      %mul3A_924 = arith.muli %squeeze3A_922, %mul3A_923 : i32
      %slice3A_925 = vector.extract_strided_slice %mul3A_28 {offsets = [14], sizes = [1], strides = [1]} : vector<16xf32> to vector<1xf32>
      %squeeze3A_926 = vector.extract %slice3A_925[0] : f32 from vector<1xf32>
      %mul3A_927 = arith.constant 16 : i32
      %mul3A_928 = arith.muli %scan3A_15, %mul3A_927 : i32
      %add3A_929 = arith.constant 14 : i32
      %add3A_930 = arith.addi %mul3A_928, %add3A_929 : i32
      %mul3A_931 = arith.constant 64 : i32
      %mul3A_932 = arith.muli %add3A_930, %mul3A_931 : i32
      %add3A_933 = arith.constant 0 : i32
      %add3A_934 = arith.addi %mul3A_932, %add3A_933 : i32
      %get3A_935 = arith.index_cast %add3A_934 : i32 to index
      %get3A_936 = tpu.vector_load %arg6[%get3A_935] {strides = array<i32>} : memref<8192xf32, #tpu.memory_space<vmem>>, vector<16xf32>,
      %get3A_937 = vector.shape_cast %get3A_936 : vector<16xf32> to vector<16xf32>
      %add3A_938 = arith.constant 0 : i32
      %add3A_939 = arith.addi %mul3A_924, %add3A_938 : i32
      %sub3A_940 = vector.broadcast %squeeze3A_926 : f32 to vector<16xf32>
      %sub3A_941 = arith.subf %get3A_937, %sub3A_940 : vector<16xf32>
      %swap3A_942 = arith.index_cast %add3A_939 : i32 to index
      %swap3A_943 = tpu.vector_load %arg7[%swap3A_942] {strides = array<i32>} : memref<4096xf32, #tpu.memory_space<vmem>>, vector<16xf32>,
      %swap3A_944 = vector.shape_cast %swap3A_943 : vector<16xf32> to vector<16xf32>
      %swap3A_945 = vector.shape_cast %sub3A_941 : vector<16xf32> to vector<16xf32>
      tpu.vector_store %arg7[%swap3A_942], %swap3A_945 {add = true, strides = array<i32>} : memref<4096xf32, #tpu.memory_space<vmem>>, vector<16xf32>,
      %add3A_946 = arith.constant 16 : i32
      %add3A_947 = arith.addi %mul3A_932, %add3A_946 : i32
      %get3A_948 = arith.index_cast %add3A_947 : i32 to index
      %get3A_949 = tpu.vector_load %arg6[%get3A_948] {strides = array<i32>} : memref<8192xf32, #tpu.memory_space<vmem>>, vector<16xf32>,
      %get3A_950 = vector.shape_cast %get3A_949 : vector<16xf32> to vector<16xf32>
      %add3A_951 = arith.constant 16 : i32
      %add3A_952 = arith.addi %mul3A_924, %add3A_951 : i32
      %sub3A_953 = vector.broadcast %squeeze3A_926 : f32 to vector<16xf32>
      %sub3A_954 = arith.subf %get3A_950, %sub3A_953 : vector<16xf32>
      %swap3A_955 = arith.index_cast %add3A_952 : i32 to index
      %swap3A_956 = tpu.vector_load %arg7[%swap3A_955] {strides = array<i32>} : memref<4096xf32, #tpu.memory_space<vmem>>, vector<16xf32>,
      %swap3A_957 = vector.shape_cast %swap3A_956 : vector<16xf32> to vector<16xf32>
      %swap3A_958 = vector.shape_cast %sub3A_954 : vector<16xf32> to vector<16xf32>
      tpu.vector_store %arg7[%swap3A_955], %swap3A_958 {add = true, strides = array<i32>} : memref<4096xf32, #tpu.memory_space<vmem>>, vector<16xf32>,
      %add3A_959 = arith.constant 32 : i32
      %add3A_960 = arith.addi %mul3A_932, %add3A_959 : i32
      %get3A_961 = arith.index_cast %add3A_960 : i32 to index
      %get3A_962 = tpu.vector_load %arg6[%get3A_961] {strides = array<i32>} : memref<8192xf32, #tpu.memory_space<vmem>>, vector<16xf32>,
      %get3A_963 = vector.shape_cast %get3A_962 : vector<16xf32> to vector<16xf32>
      %add3A_964 = arith.constant 32 : i32
      %add3A_965 = arith.addi %mul3A_924, %add3A_964 : i32
      %sub3A_966 = vector.broadcast %squeeze3A_926 : f32 to vector<16xf32>
      %sub3A_967 = arith.subf %get3A_963, %sub3A_966 : vector<16xf32>
      %swap3A_968 = arith.index_cast %add3A_965 : i32 to index
      %swap3A_969 = tpu.vector_load %arg7[%swap3A_968] {strides = array<i32>} : memref<4096xf32, #tpu.memory_space<vmem>>, vector<16xf32>,
      %swap3A_970 = vector.shape_cast %swap3A_969 : vector<16xf32> to vector<16xf32>
      %swap3A_971 = vector.shape_cast %sub3A_967 : vector<16xf32> to vector<16xf32>
      tpu.vector_store %arg7[%swap3A_968], %swap3A_971 {add = true, strides = array<i32>} : memref<4096xf32, #tpu.memory_space<vmem>>, vector<16xf32>,
      %add3A_972 = arith.constant 48 : i32
      %add3A_973 = arith.addi %mul3A_932, %add3A_972 : i32
      %get3A_974 = arith.index_cast %add3A_973 : i32 to index
      %get3A_975 = tpu.vector_load %arg6[%get3A_974] {strides = array<i32>} : memref<8192xf32, #tpu.memory_space<vmem>>, vector<16xf32>,
      %get3A_976 = vector.shape_cast %get3A_975 : vector<16xf32> to vector<16xf32>
      %add3A_977 = arith.constant 48 : i32
      %add3A_978 = arith.addi %mul3A_924, %add3A_977 : i32
      %sub3A_979 = vector.broadcast %squeeze3A_926 : f32 to vector<16xf32>
      %sub3A_980 = arith.subf %get3A_976, %sub3A_979 : vector<16xf32>
      %swap3A_981 = arith.index_cast %add3A_978 : i32 to index
      %swap3A_982 = tpu.vector_load %arg7[%swap3A_981] {strides = array<i32>} : memref<4096xf32, #tpu.memory_space<vmem>>, vector<16xf32>,
      %swap3A_983 = vector.shape_cast %swap3A_982 : vector<16xf32> to vector<16xf32>
      %swap3A_984 = vector.shape_cast %sub3A_980 : vector<16xf32> to vector<16xf32>
      tpu.vector_store %arg7[%swap3A_981], %swap3A_984 {add = true, strides = array<i32>} : memref<4096xf32, #tpu.memory_space<vmem>>, vector<16xf32>,
      %slice3A_985 = vector.extract_strided_slice %get3A_20 {offsets = [15], sizes = [1], strides = [1]} : vector<16xi32> to vector<1xi32>
      %squeeze3A_986 = vector.extract %slice3A_985[0] : i32 from vector<1xi32>
      %mul3A_987 = arith.constant 64 : i32
      %mul3A_988 = arith.muli %squeeze3A_986, %mul3A_987 : i32
      %slice3A_989 = vector.extract_strided_slice %mul3A_28 {offsets = [15], sizes = [1], strides = [1]} : vector<16xf32> to vector<1xf32>
      %squeeze3A_990 = vector.extract %slice3A_989[0] : f32 from vector<1xf32>
      %mul3A_991 = arith.constant 16 : i32
      %mul3A_992 = arith.muli %scan3A_15, %mul3A_991 : i32
      %add3A_993 = arith.constant 15 : i32
      %add3A_994 = arith.addi %mul3A_992, %add3A_993 : i32
      %mul3A_995 = arith.constant 64 : i32
      %mul3A_996 = arith.muli %add3A_994, %mul3A_995 : i32
      %add3A_997 = arith.constant 0 : i32
      %add3A_998 = arith.addi %mul3A_996, %add3A_997 : i32
      %get3A_999 = arith.index_cast %add3A_998 : i32 to index
      %get3A_1000 = tpu.vector_load %arg6[%get3A_999] {strides = array<i32>} : memref<8192xf32, #tpu.memory_space<vmem>>, vector<16xf32>,
      %get3A_1001 = vector.shape_cast %get3A_1000 : vector<16xf32> to vector<16xf32>
      %add3A_1002 = arith.constant 0 : i32
      %add3A_1003 = arith.addi %mul3A_988, %add3A_1002 : i32
      %sub3A_1004 = vector.broadcast %squeeze3A_990 : f32 to vector<16xf32>
      %sub3A_1005 = arith.subf %get3A_1001, %sub3A_1004 : vector<16xf32>
      %swap3A_1006 = arith.index_cast %add3A_1003 : i32 to index
      %swap3A_1007 = tpu.vector_load %arg7[%swap3A_1006] {strides = array<i32>} : memref<4096xf32, #tpu.memory_space<vmem>>, vector<16xf32>,
      %swap3A_1008 = vector.shape_cast %swap3A_1007 : vector<16xf32> to vector<16xf32>
      %swap3A_1009 = vector.shape_cast %sub3A_1005 : vector<16xf32> to vector<16xf32>
      tpu.vector_store %arg7[%swap3A_1006], %swap3A_1009 {add = true, strides = array<i32>} : memref<4096xf32, #tpu.memory_space<vmem>>, vector<16xf32>,
      %add3A_1010 = arith.constant 16 : i32
      %add3A_1011 = arith.addi %mul3A_996, %add3A_1010 : i32
      %get3A_1012 = arith.index_cast %add3A_1011 : i32 to index
      %get3A_1013 = tpu.vector_load %arg6[%get3A_1012] {strides = array<i32>} : memref<8192xf32, #tpu.memory_space<vmem>>, vector<16xf32>,
      %get3A_1014 = vector.shape_cast %get3A_1013 : vector<16xf32> to vector<16xf32>
      %add3A_1015 = arith.constant 16 : i32
      %add3A_1016 = arith.addi %mul3A_988, %add3A_1015 : i32
      %sub3A_1017 = vector.broadcast %squeeze3A_990 : f32 to vector<16xf32>
      %sub3A_1018 = arith.subf %get3A_1014, %sub3A_1017 : vector<16xf32>
      %swap3A_1019 = arith.index_cast %add3A_1016 : i32 to index
      %swap3A_1020 = tpu.vector_load %arg7[%swap3A_1019] {strides = array<i32>} : memref<4096xf32, #tpu.memory_space<vmem>>, vector<16xf32>,
      %swap3A_1021 = vector.shape_cast %swap3A_1020 : vector<16xf32> to vector<16xf32>
      %swap3A_1022 = vector.shape_cast %sub3A_1018 : vector<16xf32> to vector<16xf32>
      tpu.vector_store %arg7[%swap3A_1019], %swap3A_1022 {add = true, strides = array<i32>} : memref<4096xf32, #tpu.memory_space<vmem>>, vector<16xf32>,
      %add3A_1023 = arith.constant 32 : i32
      %add3A_1024 = arith.addi %mul3A_996, %add3A_1023 : i32
      %get3A_1025 = arith.index_cast %add3A_1024 : i32 to index
      %get3A_1026 = tpu.vector_load %arg6[%get3A_1025] {strides = array<i32>} : memref<8192xf32, #tpu.memory_space<vmem>>, vector<16xf32>,
      %get3A_1027 = vector.shape_cast %get3A_1026 : vector<16xf32> to vector<16xf32>
      %add3A_1028 = arith.constant 32 : i32
      %add3A_1029 = arith.addi %mul3A_988, %add3A_1028 : i32
      %sub3A_1030 = vector.broadcast %squeeze3A_990 : f32 to vector<16xf32>
      %sub3A_1031 = arith.subf %get3A_1027, %sub3A_1030 : vector<16xf32>
      %swap3A_1032 = arith.index_cast %add3A_1029 : i32 to index
      %swap3A_1033 = tpu.vector_load %arg7[%swap3A_1032] {strides = array<i32>} : memref<4096xf32, #tpu.memory_space<vmem>>, vector<16xf32>,
      %swap3A_1034 = vector.shape_cast %swap3A_1033 : vector<16xf32> to vector<16xf32>
      %swap3A_1035 = vector.shape_cast %sub3A_1031 : vector<16xf32> to vector<16xf32>
      tpu.vector_store %arg7[%swap3A_1032], %swap3A_1035 {add = true, strides = array<i32>} : memref<4096xf32, #tpu.memory_space<vmem>>, vector<16xf32>,
      %add3A_1036 = arith.constant 48 : i32
      %add3A_1037 = arith.addi %mul3A_996, %add3A_1036 : i32
      %get3A_1038 = arith.index_cast %add3A_1037 : i32 to index
      %get3A_1039 = tpu.vector_load %arg6[%get3A_1038] {strides = array<i32>} : memref<8192xf32, #tpu.memory_space<vmem>>, vector<16xf32>,
      %get3A_1040 = vector.shape_cast %get3A_1039 : vector<16xf32> to vector<16xf32>
      %add3A_1041 = arith.constant 48 : i32
      %add3A_1042 = arith.addi %mul3A_988, %add3A_1041 : i32
      %sub3A_1043 = vector.broadcast %squeeze3A_990 : f32 to vector<16xf32>
      %sub3A_1044 = arith.subf %get3A_1040, %sub3A_1043 : vector<16xf32>
      %swap3A_1045 = arith.index_cast %add3A_1042 : i32 to index
      %swap3A_1046 = tpu.vector_load %arg7[%swap3A_1045] {strides = array<i32>} : memref<4096xf32, #tpu.memory_space<vmem>>, vector<16xf32>,
      %swap3A_1047 = vector.shape_cast %swap3A_1046 : vector<16xf32> to vector<16xf32>
      %swap3A_1048 = vector.shape_cast %sub3A_1044 : vector<16xf32> to vector<16xf32>
      tpu.vector_store %arg7[%swap3A_1045], %swap3A_1048 {add = true, strides = array<i32>} : memref<4096xf32, #tpu.memory_space<vmem>>, vector<16xf32>,
      %scan3A_1049 = arith.constant 0 : i32
      scf.yield %scan3A_1049 : i32
    }
    %scan3A_14 = arith.constant 8 : i32
    "tpu.region"() ({
      %run_scoped3A = tpu.sem_alloc : memref<!tpu.dma_semaphore, #tpu.memory_space<semaphore_mem>>
      %dma_start3A = arith.constant 0 : i32
      %dma_start3A_15 = tpu.memref_slice %arg5[%add3A, %dma_start3A] : memref<32x4096xf32, #tpu.memory_space<hbm>> -> memref<1x4096xf32, #tpu.memory_space<hbm>>
      %dma_start3A_16 = tpu.memref_squeeze %dma_start3A_15 : memref<1x4096xf32, #tpu.memory_space<hbm>> -> memref<4096xf32, #tpu.memory_space<hbm>>
      %dma_start3A_17 = arith.constant 0 : i32
      %dma_start3A_18 = tpu.memref_slice %arg5[%add3A, %dma_start3A_17] : memref<32x4096xf32, #tpu.memory_space<hbm>> -> memref<1x4096xf32, #tpu.memory_space<hbm>>
      %dma_start3A_19 = tpu.memref_squeeze %dma_start3A_18 : memref<1x4096xf32, #tpu.memory_space<hbm>> -> memref<4096xf32, #tpu.memory_space<hbm>>
      tpu.enqueue_dma source(%arg7 : memref<4096xf32, #tpu.memory_space<vmem>>) target(%dma_start3A_19 : memref<4096xf32, #tpu.memory_space<hbm>>) target_semaphore(%run_scoped3A : memref<!tpu.dma_semaphore, #tpu.memory_space<semaphore_mem>>)
      %dma_wait3A = arith.constant 0 : i32
      %dma_wait3A_20 = tpu.memref_slice %arg5[%add3A, %dma_wait3A] : memref<32x4096xf32, #tpu.memory_space<hbm>> -> memref<1x4096xf32, #tpu.memory_space<hbm>>
      %dma_wait3A_21 = tpu.memref_squeeze %dma_wait3A_20 : memref<1x4096xf32, #tpu.memory_space<hbm>> -> memref<4096xf32, #tpu.memory_space<hbm>>
      %dma_wait3A_22 = arith.constant 0 : i32
      %dma_wait3A_23 = tpu.memref_slice %arg5[%add3A, %dma_wait3A_22] : memref<32x4096xf32, #tpu.memory_space<hbm>> -> memref<1x4096xf32, #tpu.memory_space<hbm>>
      %dma_wait3A_24 = tpu.memref_squeeze %dma_wait3A_23 : memref<1x4096xf32, #tpu.memory_space<hbm>> -> memref<4096xf32, #tpu.memory_space<hbm>>
      tpu.wait_dma2 semaphore(%run_scoped3A : memref<!tpu.dma_semaphore, #tpu.memory_space<semaphore_mem>>) src(%arg7 : memref<4096xf32, #tpu.memory_space<vmem>>) dst(%dma_wait3A_24 : memref<4096xf32, #tpu.memory_space<hbm>>)
      tpu.yield
    }) : () -> ()
    return
  }
}

module attributes {stable_mosaic.version = 14 : i64} {
  func.func @_wg_ef_body(%arg0: i32, %arg1: memref<64x4096xf32, #tpu.memory_space<vmem>>, %arg2: memref<4096x512xf32, #tpu.memory_space<vmem>>, %arg3: memref<64x512xf32, #tpu.memory_space<vmem>>, %arg4: memref<8x4096xf32, #tpu.memory_space<vmem>>) attributes {dimension_semantics = [#tpu.dimension_semantics<arbitrary>], iteration_bounds = array<i64: 8>, scalar_prefetch = 0 : i64, scratch_operands = 0 : i64, tpu.core_type = #tpu.core_type<tc>, window_params = [{pipeline_mode = #tpu.pipeline_mode<synchronous>, transform_indices = @transform_0, window_bounds = array<i64: 64, 4096>}, {transform_indices = @transform_1, window_bounds = array<i64: 4096, 512>}, {transform_indices = @transform_2, window_bounds = array<i64: 64, 512>}, {transform_indices = @transform_3, window_bounds = array<i64: 8, 4096>}]} {
    %get3A = arith.constant 0 : index
    %get3A_0 = arith.constant 0 : index
    %get3A_1 = vector.load %arg1[%get3A, %get3A_0] : memref<64x4096xf32, #tpu.memory_space<vmem>>, vector<64x4096xf32>
    %mul3A = arith.mulf %get3A_1, %get3A_1 : vector<64x4096xf32>
    %convert_element_type3A = arith.truncf %mul3A : vector<64x4096xf32> to vector<64x4096xbf16>
    %get3A_2 = arith.constant 0 : index
    %get3A_3 = arith.constant 0 : index
    %get3A_4 = vector.load %arg2[%get3A_2, %get3A_3] : memref<4096x512xf32, #tpu.memory_space<vmem>>, vector<4096x512xf32>
    %convert_element_type3A_5 = arith.truncf %get3A_4 : vector<4096x512xf32> to vector<4096x512xbf16>
    %dot_general3A = arith.constant dense<0.000000e+00> : vector<64x512xf32>
    %dot_general3A_6 = tpu.matmul %convert_element_type3A, %convert_element_type3A_5, %dot_general3A {dimension_numbers = #tpu.dot_dimension_numbers<[1], [0], [0], [1], [0, 0, 1, 1], [], []>, transpose_lhs_hint = false} : vector<64x4096xbf16>, vector<4096x512xbf16>, vector<64x512xf32> -> vector<64x512xf32>
    %swap3A = arith.constant 0 : index
    %swap3A_7 = arith.constant 0 : index
    %swap3A_8 = vector.load %arg3[%swap3A, %swap3A_7] : memref<64x512xf32, #tpu.memory_space<vmem>>, vector<64x512xf32>
    tpu.vector_store %arg3[%swap3A, %swap3A_7], %dot_general3A_6 {strides = array<i32>} : memref<64x512xf32, #tpu.memory_space<vmem>>, vector<64x512xf32>,
    %neg3A = arith.constant 0.000000e+00 : f32
    %neg3A_9 = vector.broadcast %neg3A : f32 to vector<64x512xf32>
    %neg3A_10 = arith.subf %neg3A_9, %dot_general3A_6 : vector<64x512xf32>
    %exp3A = math.exp %neg3A_10 : vector<64x512xf32>
    %reshape3A = vector.shape_cast %exp3A : vector<64x512xf32> to vector<64x8x64xf32>
    %transpose3A = tpu.transpose %reshape3A, [1, 0, 2] : vector<64x8x64xf32> -> vector<8x64x64xf32>
    %reshape3A_11 = vector.shape_cast %transpose3A : vector<8x64x64xf32> to vector<8x4096xf32>
    %swap3A_12 = arith.constant 0 : index
    %swap3A_13 = arith.constant 0 : index
    %swap3A_14 = vector.load %arg4[%swap3A_12, %swap3A_13] : memref<8x4096xf32, #tpu.memory_space<vmem>>, vector<8x4096xf32>
    tpu.vector_store %arg4[%swap3A_12, %swap3A_13], %reshape3A_11 {strides = array<i32>} : memref<8x4096xf32, #tpu.memory_space<vmem>>, vector<8x4096xf32>,
    return
  }
  func.func @transform_0(%arg0: i32) -> (i32, i32) {
    %c0_i32 = arith.constant 0 : i32
    %c0_i32_0 = arith.constant 0 : i32
    %c0_i32_1 = arith.constant 0 : i32
    return %c0_i32, %c0_i32_0 : i32, i32
  }
  func.func @transform_1(%arg0: i32) -> (i32, i32) {
    %c0_i32 = arith.constant 0 : i32
    %c0_i32_0 = arith.constant 0 : i32
    return %c0_i32, %arg0 : i32, i32
  }
  func.func @transform_2(%arg0: i32) -> (i32, i32) {
    %c0_i32 = arith.constant 0 : i32
    %c0_i32_0 = arith.constant 0 : i32
    return %c0_i32, %arg0 : i32, i32
  }
  func.func @transform_3(%arg0: i32) -> (i32, i32) {
    %c0_i32 = arith.constant 0 : i32
    %c0_i32_0 = arith.constant 0 : i32
    return %arg0, %c0_i32 : i32, i32
  }
}

module attributes {stable_mosaic.version = 14 : i64} {
  func.func @_z_body(%arg0: memref<32x4096xf32, #tpu.memory_space<vmem>>, %arg1: memref<64x4096xf32, #tpu.memory_space<vmem>>, %arg2: memref<32x64xf32, #tpu.memory_space<vmem>>, %arg3: memref<32x64xf32, #tpu.memory_space<vmem>>) attributes {dimension_semantics = [], scalar_prefetch = 0 : i64, scratch_operands = 0 : i64, tpu.core_type = #tpu.core_type<tc>} {
    %get3A = arith.constant 0 : index
    %get3A_0 = arith.constant 0 : index
    %get3A_1 = vector.load %arg0[%get3A, %get3A_0] : memref<32x4096xf32, #tpu.memory_space<vmem>>, vector<32x4096xf32>
    %get3A_2 = arith.constant 0 : index
    %get3A_3 = arith.constant 0 : index
    %get3A_4 = vector.load %arg1[%get3A_2, %get3A_3] : memref<64x4096xf32, #tpu.memory_space<vmem>>, vector<64x4096xf32>
    %dot_general3A = arith.constant dense<0.000000e+00> : vector<32x64xf32>
    %dot_general3A_5 = tpu.matmul %get3A_1, %get3A_4, %dot_general3A {dimension_numbers = #tpu.dot_dimension_numbers<[1], [1], [0], [0], [0, 0, 1, 0], [], []>, transpose_lhs_hint = false} : vector<32x4096xf32>, vector<64x4096xf32>, vector<32x64xf32> -> vector<32x64xf32>
    %get3A_6 = arith.constant 0 : index
    %get3A_7 = arith.constant 0 : index
    %get3A_8 = vector.load %arg2[%get3A_6, %get3A_7] : memref<32x64xf32, #tpu.memory_space<vmem>>, vector<32x64xf32>
    %mul3A = arith.constant 1.000000e-01 : f32
    %mul3A_9 = vector.broadcast %mul3A : f32 to vector<32x64xf32>
    %mul3A_10 = arith.mulf %mul3A_9, %get3A_8 : vector<32x64xf32>
    %add3A = arith.addf %dot_general3A_5, %mul3A_10 : vector<32x64xf32>
    %swap3A = arith.constant 0 : index
    %swap3A_11 = arith.constant 0 : index
    %swap3A_12 = vector.load %arg3[%swap3A, %swap3A_11] : memref<32x64xf32, #tpu.memory_space<vmem>>, vector<32x64xf32>
    tpu.vector_store %arg3[%swap3A, %swap3A_11], %add3A {strides = array<i32>} : memref<32x64xf32, #tpu.memory_space<vmem>>, vector<32x64xf32>,
    return
  }
}

</mosaic_0001>

<sc_bundles>
// kernel: kernel.5.cloned.1.call-start
scs
__scs_entry_jumppad:
0x0: {  	(pc) =	sbr.rel $0x88, $3  }
0x1: {  	(tag) =	ssettag $0x0;
	lr =	simm.s32 $0x1  }
0x2: {  	[smem:$0x3F9B] =	sst lr;
	_ =	strace $0xD0000000  }
0x3: {  	_ = 	snop  }
0x4: {  	_ = 	snop  }
0x5: {  	_ = 	snop  }
0x6: {  	_ = 	snop  }
0x7: {  	_ = 	snop  }
__scs_overlays_trampoline_lowered:
0x8: {  	[smem:$0x3FAA] =	sst s0  }
0x9: {  	[smem:$0x3FAB] =	sst s1  }
0xa: {  	[smem:$0x3FAC] =	sst s2  }
0xb: {  	[smem:$0x3FAD] =	sst s3  }
0xc: {  	[smem:$0x3FAE] =	sst s4  }
0xd: {  	[smem:$0x3FAF] =	sst s5  }
0xe: {  	[smem:$0x3FB0] =	sst s6  }
0xf: {  	[smem:$0x3FB1] =	sst s7  }
0x10: {  	[smem:$0x3FB2] =	sst s8  }
0x11: {  	[smem:$0x3FB3] =	sst s9;
	s0 =	simm.s32 @!p0 $0x0  }
0x12: {  	s1 =	sld [smem:$0x3F99];
	s0 =	simm.s32 @p0 $0x1  }
0x13: {  	[smem:$0x3FB4] =	sst s0;
	s0 =	simm.s32 @!p1 $0x0  }
0x14: {  	s2 =	sld [smem:$0x3F98];
	s0 =	simm.s32 @p1 $0x1  }
0x15: {  	[smem:$0x3FB5] =	sst s0;
	s0 =	simm.s32 @!p2 $0x0  }
0x16: {  	s3 =	sld [smem:$0x3FDB];
	s0 =	simm.s32 @p2 $0x1  }
0x17: {  	s4 =	simm.s32 $0x1BF5;
	[smem:$0x3FB7] =	sst s0  }
0x18: {  	s0 =	sld [smem:$0x3F9A];
	_ =	swait.ge [sflag:s4], $0x0  }
0x19: {  	s7 =	sld [smem:$0x3F9B]  }
0x1a: {  	s8 =	sadd.s32 $0xFFFFE003, lr  }
0x1b: {  	s9 =	sadd.s32 $0xFFFFFEF7, lr;
	s5 =	simm.s32 $0xFFFFFFFF;
	p2 =	slt.u32 s8, $0xFFFFF086  }
0x1c: {  	p1 =	slt.u32 s9, $0xF7A;
	s5 =	simm.s32 @!p2 $0x0  }
0x1d: {  	s5 =	simm.s32 @p1 $0x1;
	p0 =	seq.s32 s7, s2  }
0x1e: {  	s7 =	smul.u32 @!p0 $0xF7A, s2;
	p2 =	seq.s32 @!p0 s5, $0x0  }
0x1f: {  	s9 =	smul.u32 $0xF7A, s1;
	s8 =	simm.s32 @!p0 $0x1BF5;
	p2 =	por !p2, p0  }
0x20: {  	[sflag:s8] =	ssyncset.s32 @!p0 $0xFFFFF086;
	s6 =	sadd.s32 @!p0 s3, s7;
	s7 =	simm.s32 @!p0 $0x108  }
0x21: {  	s3 =	sadd.s32 s3, s9;
	s6 =	sadd.s32 @!p0 $0x88, s6;
	s7 =	simm.s32 @p2 $0x1082  }
0x22: {  	[simem:s7], [sflag:s8] =	dma.local @!p0 [hbm:s6], $0xF7A  }
0x23: {  	s9 =	sor.u32 $0xD0000000, s2;
	s6 =	simm.s32 $0x108;
	_ =	swait.ge @!p0 [sflag:s8], $0x0  }
0x24: {  	s3 =	sadd.s32 $0x88, s3;
	s6 =	simm.s32 @!p1 $0x1082;
	[sflag:s4] =	ssyncset.s32 $0xFFFFF086  }
0x25: {  	[simem:s6], [sflag:s4] =	dma.local [hbm:s3], $0xF7A  }
0x26: {  	[smem:$0x3F9B] =	sst s1;
	(tag) =	ssettag s2;
	_ =	strace s9  }
0x27: {  	s1 =	sld [smem:$0x3FAB]  }
0x28: {  	s2 =	sld [smem:$0x3FAC]  }
0x29: {  	s4 =	sld [smem:$0x3FAE]  }
0x2a: {  	p0 =	seq.s32 s5, $0x0;
	s5 =	sld [smem:$0x3FAF]  }
0x2b: {  	s6 =	sld [smem:$0x3FB0]  }
0x2c: {  	s7 =	sld [smem:$0x3FB1]  }
0x2d: {  	s3 =	simm.s32 $0x108;
	s8 =	sld [smem:$0x3FB2]  }
0x2e: {  	s3 =	simm.s32 @!p0 $0x1082;
	s9 =	sld [smem:$0x3FB3]  }
0x2f: {  	lr =	sadd.s32 s0, s3;
	s0 =	sld [smem:$0x3FAA]  }
0x30: {  	s3 =	sld [smem:$0x3FAD]  }
0x31: {  	[smem:$0x3FB6] =	sst s10  }
0x32: {  	s10 =	sld [smem:$0x3FB4];
	_ =	sdelay $0x3  }
0x33: {  	p0 =	seq.s32 s10, $0x1;
	s10 =	sld [smem:$0x3FB6];
	_ =	sdelay $0x3  }
0x34: {  	[smem:$0x3FB6] =	sst s10  }
0x35: {  	s10 =	sld [smem:$0x3FB5];
	_ =	sdelay $0x3  }
0x36: {  	p1 =	seq.s32 s10, $0x1;
	s10 =	sld [smem:$0x3FB6];
	_ =	sdelay $0x3  }
0x37: {  	[smem:$0x3FB6] =	sst s10  }
0x38: {  	s10 =	sld [smem:$0x3FB7]  }
0x39: {  	_ = 	snop;
	(pc) =	sbr.ind lr, $3  }
0x3a: {  	_ = 	snop  }
0x3b: {  	_ = 	snop  }
0x3c: {  	p2 =	seq.s32 s10, $0x1;
	s10 =	sld [smem:$0x3FB6]  }
0x3d: {  	_ =	shalt  }
0x3e: {  	_ =	shalt  }
0x3f: {  	_ =	shalt  }
0x40: {  	_ =	shalt  }
0x41: {  	_ =	shalt  }
0x42: {  	_ =	shalt  }
0x43: {  	_ =	shalt  }
0x44: {  	_ =	shalt  }
0x45: {  	_ =	shalt  }
0x46: {  	_ =	shalt  }
0x47: {  	_ =	shalt  }
0x48: {  	_ =	shalt  }
0x49: {  	_ =	shalt  }
0x4a: {  	_ =	shalt  }
0x4b: {  	_ =	shalt  }
0x4c: {  	_ =	shalt  }
0x4d: {  	_ =	shalt  }
0x4e: {  	_ =	shalt  }
0x4f: {  	_ =	shalt  }
0x50: {  	_ =	shalt  }
0x51: {  	_ =	shalt  }
0x52: {  	_ =	shalt  }
0x53: {  	_ =	shalt  }
0x54: {  	_ =	shalt  }
0x55: {  	_ =	shalt  }
0x56: {  	_ =	shalt  }
0x57: {  	_ =	shalt  }
0x58: {  	_ =	shalt  }
0x59: {  	_ =	shalt  }
0x5a: {  	_ =	shalt  }
0x5b: {  	_ =	shalt  }
0x5c: {  	_ =	shalt  }
0x5d: {  	_ =	shalt  }
0x5e: {  	_ =	shalt  }
0x5f: {  	_ =	shalt  }
0x60: {  	_ =	shalt  }
0x61: {  	_ =	shalt  }
0x62: {  	_ =	shalt  }
0x63: {  	_ =	shalt  }
0x64: {  	_ =	shalt  }
0x65: {  	_ =	shalt  }
0x66: {  	_ =	shalt  }
0x67: {  	_ =	shalt  }
0x68: {  	_ =	shalt  }
0x69: {  	_ =	shalt  }
0x6a: {  	_ =	shalt  }
0x6b: {  	_ =	shalt  }
0x6c: {  	_ =	shalt  }
0x6d: {  	_ =	shalt  }
0x6e: {  	_ =	shalt  }
0x6f: {  	_ =	shalt  }
0x70: {  	_ =	shalt  }
0x71: {  	_ =	shalt  }
0x72: {  	_ =	shalt  }
0x73: {  	_ =	shalt  }
0x74: {  	_ =	shalt  }
0x75: {  	_ =	shalt  }
0x76: {  	_ =	shalt  }
0x77: {  	_ =	shalt  }
0x78: {  	_ =	shalt  }
0x79: {  	_ =	shalt  }
0x7a: {  	_ =	shalt  }
0x7b: {  	_ =	shalt  }
0x7c: {  	_ =	shalt  }
0x7d: {  	_ =	shalt  }
0x7e: {  	_ =	shalt  }
0x7f: {  	_ =	shalt  }
0x80: {  	_ =	shalt  }
0x81: {  	_ =	shalt  }
0x82: {  	_ =	shalt  }
0x83: {  	_ =	shalt  }
0x84: {  	_ =	shalt  }
0x85: {  	_ =	shalt  }
0x86: {  	_ =	shalt  }
0x87: {  	_ =	shalt  }
.Lfunc_end0:
.L_simem_size_0:
called_computation_lowered:
.L_overlay_start_0:
0x88: {  	s2 =	sld [smem:$0x3FD9]  }
0x89: {  	s3 =	sld [smem:$0x3FFE];
	_ =	sdelay $0x1  }
0x8a: {  	s1 =	srdreg.scid  }
0x8b: {  	s0 =	sand.u32 $0x1, s1  }
0x8c: {  	s17 =	sshll.u32 s0, $0xA;
	s2 =	sadd.s32 s3, s2  }
0x8d: {  	s2 =	sadd.s32 s2, s17  }
0x8e: {  	[smem:$0x3FC2] =	sst s2  }
0x8f: {  	_ = 	snop  }
0x90: {  	s2 =	sld [smem:$0x3FC8]  }
0x91: {  	s18 =	sld [smem:$0x3FC7];
	(tm) =	ssettm $0x1  }
0x92: {  	s4 =	sld [smem:$0x3FFB];
	_ =	sdelay $0x3  }
0x93: {  	_ =	strace s4  }
0x94: {  	s4 =	sld [smem:$0x3FFC];
	_ =	sdelay $0x3  }
0x95: {  	_ =	strace s4  }
0x96: {  	s4 =	sld [smem:$0x3FFD];
	_ =	sdelay $0x3  }
0x97: {  	_ =	strace s4  }
0x98: {  	_ =	strace $0x8FFFFFFF  }
0x99: {  	s19 =	sld [smem:$0x3FDB];
	_ =	sdelay $0x1  }
0x9a: {  	s5 =	simm.s32 $_scs_section_size  }
0x9b: {  	s6 =	simm.s32 $_size__tile_overlayer_lowered;
	s7 =	simm.s32 $_tile_overlayer_lowered  }
0x9c: {  	s22 =	simm.s32 $0x1BFF;
	s21 =	sshll.u32 s7, $0x1;
	s4 =	sadd.s32 s5, s19  }
0x9d: {  	s8 =	simm.s32 $0x0;
	s20 =	sshll.u32 s6, $0x1;
	s6 =	sadd.s32 s21, s4  }
0x9e: {  	[timem:s8], [sflag:s22] =	dma.local [hbm:s6], s20  }
0x9f: {  	_ =	swait.ge [sflag:s22], s20  }
0xa0: {  	s5 =	ssub.s32 $0x0, s20;
	[sflag:s22] =	ssyncset.done $0x0  }
0xa1: {  	[sflag:s22] =	ssyncadd.s32 s5;
	_ =	sdelay $0x1  }
0xa2: {  	s23 =	simm.s32 $0x1B8B  }
0xa3: {  	_ =	swait.ge [sflag:s23], $0x1  }
0xa4: {  	[sflag:s23] =	ssyncset.done $0x0  }
0xa5: {  	s25 =	simm.s32 $0x1B8E;
	s24 =	sld [smem:$0x3FFE];
	[sflag:s23] =	ssyncadd.s32 $0xFFFFFFFF  }
0xa6: {  	s26 =	simm.s32 $execute0_lowered;
	[smem:$0x3FD2] =	sst s25  }
0xa7: {  	s6 =	sshll.u32 s26, $0x1;
	_ =	strace $0x80000046;
	[dreg:$0x1] =	wrdreg $0xFFFFFFFF  }
0xa8: {  	s28 =	simm.s32 $_size_execute0_lowered;
	s4 =	sadd.s32 s4, s6;
	[dreg:$0x0] =	wrdreg $0x0  }
0xa9: {  	s6 =	sshll.u32 s28, $0x1;
	[dreg:$0x2] =	wrdreg s4  }
0xaa: {  	[dreg:$0x3] =	wrdreg s6  }
0xab: {  	[dreg:$0x4] =	wrdreg $0xC0  }
0xac: {  	_ =	task [dreg:s8], $0x5FFFF  }
0xad: {  	[dreg:$0x1] =	wrdreg $0xFFFFFFFF  }
0xae: {  	[dreg:$0x0] =	wrdreg $0x60  }
0xaf: {  	[dreg:$0x2] =	wrdreg s24  }
0xb0: {  	[dreg:$0x3] =	wrdreg s2  }
0xb1: {  	[dreg:$0x4] =	wrdreg s18  }
0xb2: {  	[dreg:$0x5] =	wrdreg $0x9  }
0xb3: {  	_ =	task.clear_ibuf [dreg:s8], $0x6FFFF;
	_ =	strace $0x90000046  }
0xb4: {  	s29 =	simm.s32 $0x9;
	_ =	strace $0x80000048  }
0xb5: {  	_ =	swait.ge [sflag:s29], $0x1  }
0xb6: {  	[sflag:s29] =	ssyncadd.s32 $0xFFFFFFFF  }
0xb7: {  	_ =	strace $0x90000048  }
0xb8: {  	_ =	sfence  }
0xb9: {  	s30 =	sld [smem:$0x0];
	_ =	sdelay $0x2  }
0xba: {  	s31 =	sshll.u32 s1, $0xD;
	s1 =	sshrl.u32 s1, $0x2  }
0xbb: {  	s3 =	sand.u32 $0x4000, s31;
	s1 =	sadd.s32 s1, s30  }
0xbc: {  	s0 =	sor.u32 s3, s0;
	s1 =	sshll.u32 s1, $0x11  }
0xbd: {  	s0 =	sor.u32 s1, s0  }
0xbe: {  	s0 =	sadd.s32 $0x8F2B, s0  }
0xbf: {  	[sflag:s0] =	ssyncadd.remote.s32 $0x1  }
0xc0: {  	_ =	sfence.sel $0xFFFF  }
0xc1: {  	[dreg:$0x0] =	wrdreg $0xFFFFFFFF;
	(pc) =	sbr.abs _section_cstart, $3  }
0xc2: {  	[dreg:$0x1] =	wrdreg $0xFFFFFFFF  }
0xc3: {  	_ =	task.clear_ibuf [dreg:s8], $0x2FFFF;
	_ =	strace $0x9FFFFFFF  }
0xc4: {  	(tm) =	ssettm $0x7FFFFFFF  }
0xc5: {  	_ =	shalt  }
tec
execute0_lowered:
.L_overlay_start_1:
0x0: {  	(tag) =	ssettag $0x1  }
0x1: {  	s3 =	rddreg [dreg:$0x0]  }
0x2: {  	s1 =	srdreg.scid;
	s4 =	rddreg [dreg:$0x1]  }
0x3: {  	s0 =	stileid.u32;
	s7 =	rddreg [dreg:$0x2]  }
0x4: {  	s12 =	simm.s32 $0x3080;
	s13 =	simm.s32 $0x2000;
	s14 =	simm.s32 $0x0  }
0x5: {  	s5 =	sand.u32 $0x1, s1;
	s28 =	sshll.u32 s0, $0x8;
	s6 =	sshrl.u32 s0, $0x2  }
0x6: {  	s2 =	sshll.u32 s5, $0x7;
	s1 =	sand.u32 $0x300, s28;
	s9 =	sshll.u32 s6, $0x10  }
0x7: {  	s10 =	sshll.u32 s6, $0xF;
	s5 =	ssub.s32 $0x2, s5;
	s6 =	sshll.u32 s6, $0xA  }
0x8: {  	s8 =	sor.u32 s2, s1;
	s1 =	rddreg [dreg:$0x3];
	s2 =	simm.s32 $0x0  }
0x9: {  	s11 =	sshrl.u32 s5, $0x1;
	s9 =	sor.u32 s9, s8;
	[smem:$0x7FF] =	sst s2  }
0xa: {  	s10 =	sor.u32 s10, s8;
	s6 =	sor.u32 s6, s8;
	s30 =	ssub.s32 s5, s11  }
0xb: {  	s8 =	simm.s32 $0x80;
	s11 =	simm.s32 $0x3000;
	s9 =	sshrl.u32 s9, $0x3  }
0xc: {  	_ =	strace $0x80000047;
	s10 =	sshrl.u32 s10, $0x3;
	s31 =	sshrl.u32 s6, $0x3  }
0xd: {  	s9 =	sadd.s32 s9, s3;
	s29 =	sadd.s32 s10, s3;
	s4 =	sadd.s32 s4, s31  }
0xe: {  	s5 =	sadd.s32 s7, s31;
	s7 =	smax.u32 s30, $0x1;
	s10 =	simm.s32 $0x1  }
0xf: {  	v0 =	vimm.f32 $0.0e+00;
	s3 =	sadd.s32 $0xC00, s9;
	s6 =	sadd.s32 $0x8C00, s29;
	s9 =	simm.s32 $0x400  }
.LBB2_1:
0x10: {  	[tilespmem:s2], [sflag:$0x1] =	stream.strided.gather [hbm4b:s3+s8], $0x2000, s9, s8, $0x38;
	[tilespmem:$0x3100] =	vst v63  }
0x11: {  	_ =	swait.ge [sflag:s10], $0x2000  }
0x12: {  	[sflag:s10] =	ssyncset.done $0x0  }
0x13: {  	[sflag:s10] =	ssyncadd.s32 $0xFFFFE000  }
0x14: {  	[tilespmem:s11], [sflag:$0x1] =	stream.linear.gather [hbm4b:s4+s2], $0x80, $0x38;
	[tilespmem:$0x3100] =	vst v63  }
0x15: {  	_ =	swait.ge [sflag:s10], $0x80  }
0x16: {  	[sflag:s10] =	ssyncset.done $0x0  }
0x17: {  	[sflag:s10] =	ssyncadd.s32 $0xFFFFFF80  }
0x18: {  	[tilespmem:s12], [sflag:$0x1] =	stream.linear.gather [hbm4b:s5+s2], $0x80, $0x38;
	[tilespmem:$0x3100] =	vst v63  }
0x19: {  	_ =	swait.ge [sflag:s10], $0x80  }
0x1a: {  	[sflag:s10] =	ssyncset.done $0x0  }
0x1b: {  	s15 =	simm.s32 $0x0;
	s16 =	simm.s32 $0x200;
	[sflag:s10] =	ssyncadd.s32 $0xFFFFFF80  }
.LBB2_2:
0x1c: {  	p0 =	sne.s32 s16, $0x3E00;
	[tilespmem:s15+$0x2070] =	vst v0  }
0x1d: {  	[tilespmem:s15+$0x2000] =	vst v0  }
0x1e: {  	[tilespmem:s15+$0x2010] =	vst v0  }
.Ltmp0:
0x1f: {  	[tilespmem:s15+$0x2020] =	vst v0;
	(pc) =	sbr.rel @p0 .LBB2_2-.Ltmp0, $4  }
0x20: {  	[tilespmem:s15+$0x2030] =	vst v0  }
0x21: {  	[tilespmem:s15+$0x2040] =	vst v0  }
0x22: {  	[tilespmem:s15+$0x2050] =	vst v0  }
0x23: {  	[tilespmem:s15+$0x2060] =	vst v0;
	s15 =	sshra.s32 s16, $0x2;
	s16 =	sadd.s32 $0x200, s16  }
0x24: {  	[tilespmem:s15+$0x2070] =	vst v0  }
0x25: {  	[tilespmem:s15+$0x2000] =	vst v0  }
0x26: {  	[tilespmem:s15+$0x2010] =	vst v0  }
0x27: {  	[tilespmem:s15+$0x2020] =	vst v0  }
0x28: {  	[tilespmem:s15+$0x2030] =	vst v0  }
0x29: {  	[tilespmem:s15+$0x2040] =	vst v0  }
0x2a: {  	[tilespmem:s15+$0x2050] =	vst v0  }
0x2b: {  	[tilespmem:s15+$0x2060] =	vst v0;
	s15 =	simm.s32 $0x0;
	s16 =	simm.s32 $0x200  }
.LBB2_4:
0x2c: {  	s17 =	sshra.s32 s15, $0x2  }
0x2d: {  	v1 =	vld [tilespmem:s17+$0x3000];
	_ =	sdelay $0x4  }
0x2e: {  	v1 =	vshll.u32 v1, $0x8  }
0x2f: {  	v2 =	vshra.s32 v1, $0x2  }
0x30: {  	(v2sf) =	vpush v2, $0x0;
	_ =	sdelay $0x4  }
0x31: {  	v1 =	vld [tilespmem:s17+$0x3080];
	_ =	sdelay $0x3  }
0x32: {  	v3 =	vld [tilespmem:s16+$0xFFFFFE00]  }
0x33: {  	v1 =	vmul.f32 $1.000000010e-01, v1;
	_ =	sdelay $0x1  }
0x34: {  	v4 =	vbroadcast v1, $0x0;
	_ =	sdelay $0x1  }
0x35: {  	v3 =	vsub.f32 v3, v4  }
0x36: {  	s29 =	spop (v2sf)  }
0x37: {  	[tilespmem:s29+$0x2000] =	vst.add.f32.msk $0xffff, v3  }
0x38: {  	v3 =	vld [tilespmem:s16+$0xFFFFFE10];
	_ =	sdelay $0x4  }
0x39: {  	v3 =	vsub.f32 v3, v4;
	_ =	sdelay $0x1  }
0x3a: {  	[tilespmem:s29+$0x2010] =	vst.add.f32.msk $0xffff, v3  }
0x3b: {  	v3 =	vld [tilespmem:s16+$0xFFFFFE20];
	_ =	sdelay $0x4  }
0x3c: {  	v3 =	vsub.f32 v3, v4;
	_ =	sdelay $0x1  }
0x3d: {  	(v2sf) =	vpush v2, $0x1;
	[tilespmem:s29+$0x2020] =	vst.add.f32.msk $0xffff, v3  }
0x3e: {  	v3 =	vld [tilespmem:s16+$0xFFFFFE30];
	_ =	sdelay $0x4  }
0x3f: {  	v3 =	vsub.f32 v3, v4;
	_ =	sdelay $0x1  }
0x40: {  	[tilespmem:s29+$0x2030] =	vst.add.f32.msk $0xffff, v3  }
0x41: {  	v3 =	vld [tilespmem:s16+$0xFFFFFE40];
	_ =	sdelay $0x2  }
0x42: {  	v50 =	vbroadcast v1, $0x1;
	_ =	sdelay $0x1  }
0x43: {  	v3 =	vsub.f32 v3, v50  }
0x44: {  	s30 =	spop (v2sf)  }
0x45: {  	[tilespmem:s30+$0x2000] =	vst.add.f32.msk $0xffff, v3  }
0x46: {  	v3 =	vld [tilespmem:s16+$0xFFFFFE50];
	_ =	sdelay $0x4  }
0x47: {  	v3 =	vsub.f32 v3, v50;
	_ =	sdelay $0x1  }
0x48: {  	[tilespmem:s30+$0x2010] =	vst.add.f32.msk $0xffff, v3  }
0x49: {  	v3 =	vld [tilespmem:s16+$0xFFFFFE60];
	_ =	sdelay $0x4  }
0x4a: {  	v3 =	vsub.f32 v3, v50;
	_ =	sdelay $0x1  }
0x4b: {  	(v2sf) =	vpush v2, $0x2;
	[tilespmem:s30+$0x2020] =	vst.add.f32.msk $0xffff, v3  }
0x4c: {  	v3 =	vld [tilespmem:s16+$0xFFFFFE70];
	_ =	sdelay $0x4  }
0x4d: {  	v3 =	vsub.f32 v3, v50;
	_ =	sdelay $0x1  }
0x4e: {  	[tilespmem:s30+$0x2030] =	vst.add.f32.msk $0xffff, v3  }
0x4f: {  	v3 =	vld [tilespmem:s16+$0xFFFFFE80];
	_ =	sdelay $0x2  }
0x50: {  	v51 =	vbroadcast v1, $0x2;
	_ =	sdelay $0x1  }
0x51: {  	v3 =	vsub.f32 v3, v51  }
0x52: {  	s31 =	spop (v2sf)  }
0x53: {  	[tilespmem:s31+$0x2000] =	vst.add.f32.msk $0xffff, v3  }
0x54: {  	v3 =	vld [tilespmem:s16+$0xFFFFFE90];
	_ =	sdelay $0x4  }
0x55: {  	v3 =	vsub.f32 v3, v51;
	_ =	sdelay $0x1  }
0x56: {  	[tilespmem:s31+$0x2010] =	vst.add.f32.msk $0xffff, v3  }
0x57: {  	v3 =	vld [tilespmem:s16+$0xFFFFFEA0];
	_ =	sdelay $0x4  }
0x58: {  	v3 =	vsub.f32 v3, v51;
	_ =	sdelay $0x1  }
0x59: {  	(v2sf) =	vpush v2, $0x3;
	[tilespmem:s31+$0x2020] =	vst.add.f32.msk $0xffff, v3  }
0x5a: {  	v3 =	vld [tilespmem:s16+$0xFFFFFEB0];
	_ =	sdelay $0x4  }
0x5b: {  	v3 =	vsub.f32 v3, v51;
	_ =	sdelay $0x1  }
0x5c: {  	[tilespmem:s31+$0x2030] =	vst.add.f32.msk $0xffff, v3  }
0x5d: {  	v3 =	vld [tilespmem:s16+$0xFFFFFEC0];
	_ =	sdelay $0x2  }
0x5e: {  	v52 =	vbroadcast v1, $0x3;
	_ =	sdelay $0x1  }
0x5f: {  	v3 =	vsub.f32 v3, v52  }
0x60: {  	s18 =	spop (v2sf)  }
0x61: {  	[tilespmem:s18+$0x2000] =	vst.add.f32.msk $0xffff, v3  }
0x62: {  	v3 =	vld [tilespmem:s16+$0xFFFFFED0];
	_ =	sdelay $0x4  }
0x63: {  	v3 =	vsub.f32 v3, v52;
	_ =	sdelay $0x1  }
0x64: {  	[tilespmem:s18+$0x2010] =	vst.add.f32.msk $0xffff, v3  }
0x65: {  	v3 =	vld [tilespmem:s16+$0xFFFFFEE0];
	_ =	sdelay $0x4  }
0x66: {  	v3 =	vsub.f32 v3, v52;
	_ =	sdelay $0x1  }
0x67: {  	(v2sf) =	vpush v2, $0x4;
	[tilespmem:s18+$0x2020] =	vst.add.f32.msk $0xffff, v3  }
0x68: {  	v3 =	vld [tilespmem:s16+$0xFFFFFEF0];
	_ =	sdelay $0x4  }
0x69: {  	v3 =	vsub.f32 v3, v52;
	_ =	sdelay $0x1  }
0x6a: {  	[tilespmem:s18+$0x2030] =	vst.add.f32.msk $0xffff, v3  }
0x6b: {  	v3 =	vld [tilespmem:s16+$0xFFFFFF00];
	_ =	sdelay $0x2  }
0x6c: {  	v53 =	vbroadcast v1, $0x4;
	_ =	sdelay $0x1  }
0x6d: {  	v3 =	vsub.f32 v3, v53  }
0x6e: {  	s19 =	spop (v2sf)  }
0x6f: {  	[tilespmem:s19+$0x2000] =	vst.add.f32.msk $0xffff, v3  }
0x70: {  	v3 =	vld [tilespmem:s16+$0xFFFFFF10];
	_ =	sdelay $0x4  }
0x71: {  	v3 =	vsub.f32 v3, v53;
	_ =	sdelay $0x1  }
0x72: {  	[tilespmem:s19+$0x2010] =	vst.add.f32.msk $0xffff, v3  }
0x73: {  	v3 =	vld [tilespmem:s16+$0xFFFFFF20];
	_ =	sdelay $0x4  }
0x74: {  	v3 =	vsub.f32 v3, v53;
	_ =	sdelay $0x1  }
0x75: {  	(v2sf) =	vpush v2, $0x5;
	[tilespmem:s19+$0x2020] =	vst.add.f32.msk $0xffff, v3  }
0x76: {  	v3 =	vld [tilespmem:s16+$0xFFFFFF30];
	_ =	sdelay $0x4  }
0x77: {  	v3 =	vsub.f32 v3, v53;
	_ =	sdelay $0x1  }
0x78: {  	[tilespmem:s19+$0x2030] =	vst.add.f32.msk $0xffff, v3  }
0x79: {  	v3 =	vld [tilespmem:s16+$0xFFFFFF40];
	_ =	sdelay $0x2  }
0x7a: {  	v54 =	vbroadcast v1, $0x5;
	_ =	sdelay $0x1  }
0x7b: {  	v3 =	vsub.f32 v3, v54  }
0x7c: {  	s20 =	spop (v2sf)  }
0x7d: {  	[tilespmem:s20+$0x2000] =	vst.add.f32.msk $0xffff, v3  }
0x7e: {  	v3 =	vld [tilespmem:s16+$0xFFFFFF50];
	_ =	sdelay $0x4  }
0x7f: {  	v3 =	vsub.f32 v3, v54;
	_ =	sdelay $0x1  }
0x80: {  	[tilespmem:s20+$0x2010] =	vst.add.f32.msk $0xffff, v3  }
0x81: {  	v3 =	vld [tilespmem:s16+$0xFFFFFF60];
	_ =	sdelay $0x4  }
0x82: {  	v3 =	vsub.f32 v3, v54;
	_ =	sdelay $0x1  }
0x83: {  	(v2sf) =	vpush v2, $0x6;
	[tilespmem:s20+$0x2020] =	vst.add.f32.msk $0xffff, v3  }
0x84: {  	v3 =	vld [tilespmem:s16+$0xFFFFFF70];
	_ =	sdelay $0x4  }
0x85: {  	v3 =	vsub.f32 v3, v54;
	_ =	sdelay $0x1  }
0x86: {  	[tilespmem:s20+$0x2030] =	vst.add.f32.msk $0xffff, v3  }
0x87: {  	v3 =	vld [tilespmem:s16+$0xFFFFFF80];
	_ =	sdelay $0x2  }
0x88: {  	v55 =	vbroadcast v1, $0x6;
	_ =	sdelay $0x1  }
0x89: {  	v3 =	vsub.f32 v3, v55  }
0x8a: {  	s21 =	spop (v2sf)  }
0x8b: {  	[tilespmem:s21+$0x2000] =	vst.add.f32.msk $0xffff, v3  }
0x8c: {  	v3 =	vld [tilespmem:s16+$0xFFFFFF90];
	_ =	sdelay $0x4  }
0x8d: {  	v3 =	vsub.f32 v3, v55;
	_ =	sdelay $0x1  }
0x8e: {  	[tilespmem:s21+$0x2010] =	vst.add.f32.msk $0xffff, v3  }
0x8f: {  	v3 =	vld [tilespmem:s16+$0xFFFFFFA0];
	_ =	sdelay $0x4  }
0x90: {  	v3 =	vsub.f32 v3, v55;
	_ =	sdelay $0x1  }
0x91: {  	(v2sf) =	vpush v2, $0x7;
	[tilespmem:s21+$0x2020] =	vst.add.f32.msk $0xffff, v3  }
0x92: {  	v3 =	vld [tilespmem:s16+$0xFFFFFFB0];
	_ =	sdelay $0x4  }
0x93: {  	v3 =	vsub.f32 v3, v55;
	_ =	sdelay $0x1  }
0x94: {  	[tilespmem:s21+$0x2030] =	vst.add.f32.msk $0xffff, v3  }
0x95: {  	v3 =	vld [tilespmem:s16+$0xFFFFFFC0];
	_ =	sdelay $0x2  }
0x96: {  	v56 =	vbroadcast v1, $0x7;
	_ =	sdelay $0x1  }
0x97: {  	v3 =	vsub.f32 v3, v56  }
0x98: {  	s22 =	spop (v2sf)  }
0x99: {  	[tilespmem:s22+$0x2000] =	vst.add.f32.msk $0xffff, v3  }
0x9a: {  	v3 =	vld [tilespmem:s16+$0xFFFFFFD0];
	_ =	sdelay $0x4  }
0x9b: {  	v3 =	vsub.f32 v3, v56;
	_ =	sdelay $0x1  }
0x9c: {  	[tilespmem:s22+$0x2010] =	vst.add.f32.msk $0xffff, v3  }
0x9d: {  	v3 =	vld [tilespmem:s16+$0xFFFFFFE0];
	_ =	sdelay $0x4  }
0x9e: {  	v3 =	vsub.f32 v3, v56;
	_ =	sdelay $0x1  }
0x9f: {  	(v2sf) =	vpush v2, $0x8;
	[tilespmem:s22+$0x2020] =	vst.add.f32.msk $0xffff, v3  }
0xa0: {  	v3 =	vld [tilespmem:s16+$0xFFFFFFF0];
	_ =	sdelay $0x4  }
0xa1: {  	v3 =	vsub.f32 v3, v56;
	_ =	sdelay $0x1  }
0xa2: {  	[tilespmem:s22+$0x2030] =	vst.add.f32.msk $0xffff, v3  }
0xa3: {  	v3 =	vld [tilespmem:s16+$0x0];
	_ =	sdelay $0x2  }
0xa4: {  	v57 =	vbroadcast v1, $0x8;
	_ =	sdelay $0x1  }
0xa5: {  	v3 =	vsub.f32 v3, v57  }
0xa6: {  	s23 =	spop (v2sf)  }
0xa7: {  	[tilespmem:s23+$0x2000] =	vst.add.f32.msk $0xffff, v3  }
0xa8: {  	v3 =	vld [tilespmem:s16+$0x10];
	_ =	sdelay $0x4  }
0xa9: {  	v3 =	vsub.f32 v3, v57;
	_ =	sdelay $0x1  }
0xaa: {  	[tilespmem:s23+$0x2010] =	vst.add.f32.msk $0xffff, v3  }
0xab: {  	v3 =	vld [tilespmem:s16+$0x20];
	_ =	sdelay $0x4  }
0xac: {  	v3 =	vsub.f32 v3, v57;
	_ =	sdelay $0x1  }
0xad: {  	(v2sf) =	vpush v2, $0x9;
	[tilespmem:s23+$0x2020] =	vst.add.f32.msk $0xffff, v3  }
0xae: {  	v3 =	vld [tilespmem:s16+$0x30];
	_ =	sdelay $0x4  }
0xaf: {  	v3 =	vsub.f32 v3, v57;
	_ =	sdelay $0x1  }
0xb0: {  	[tilespmem:s23+$0x2030] =	vst.add.f32.msk $0xffff, v3  }
0xb1: {  	v3 =	vld [tilespmem:s16+$0x40];
	_ =	sdelay $0x2  }
0xb2: {  	v58 =	vbroadcast v1, $0x9;
	_ =	sdelay $0x1  }
0xb3: {  	v3 =	vsub.f32 v3, v58  }
0xb4: {  	s24 =	spop (v2sf)  }
0xb5: {  	[tilespmem:s24+$0x2000] =	vst.add.f32.msk $0xffff, v3  }
0xb6: {  	v3 =	vld [tilespmem:s16+$0x50];
	_ =	sdelay $0x4  }
0xb7: {  	v3 =	vsub.f32 v3, v58;
	_ =	sdelay $0x1  }
0xb8: {  	[tilespmem:s24+$0x2010] =	vst.add.f32.msk $0xffff, v3  }
0xb9: {  	v3 =	vld [tilespmem:s16+$0x60];
	_ =	sdelay $0x4  }
0xba: {  	v3 =	vsub.f32 v3, v58;
	_ =	sdelay $0x1  }
0xbb: {  	(v2sf) =	vpush v2, $0xA;
	[tilespmem:s24+$0x2020] =	vst.add.f32.msk $0xffff, v3  }
0xbc: {  	v3 =	vld [tilespmem:s16+$0x70];
	_ =	sdelay $0x4  }
0xbd: {  	v3 =	vsub.f32 v3, v58;
	_ =	sdelay $0x1  }
0xbe: {  	[tilespmem:s24+$0x2030] =	vst.add.f32.msk $0xffff, v3  }
0xbf: {  	v3 =	vld [tilespmem:s16+$0x80];
	_ =	sdelay $0x2  }
0xc0: {  	v59 =	vbroadcast v1, $0xA;
	_ =	sdelay $0x1  }
0xc1: {  	v3 =	vsub.f32 v3, v59  }
0xc2: {  	s25 =	spop (v2sf)  }
0xc3: {  	[tilespmem:s25+$0x2000] =	vst.add.f32.msk $0xffff, v3  }
0xc4: {  	v3 =	vld [tilespmem:s16+$0x90];
	_ =	sdelay $0x4  }
0xc5: {  	v3 =	vsub.f32 v3, v59;
	_ =	sdelay $0x1  }
0xc6: {  	[tilespmem:s25+$0x2010] =	vst.add.f32.msk $0xffff, v3  }
0xc7: {  	v3 =	vld [tilespmem:s16+$0xA0];
	_ =	sdelay $0x4  }
0xc8: {  	v3 =	vsub.f32 v3, v59;
	_ =	sdelay $0x1  }
0xc9: {  	(v2sf) =	vpush v2, $0xB;
	[tilespmem:s25+$0x2020] =	vst.add.f32.msk $0xffff, v3  }
0xca: {  	v3 =	vld [tilespmem:s16+$0xB0];
	_ =	sdelay $0x4  }
0xcb: {  	v3 =	vsub.f32 v3, v59;
	_ =	sdelay $0x1  }
0xcc: {  	[tilespmem:s25+$0x2030] =	vst.add.f32.msk $0xffff, v3  }
0xcd: {  	v3 =	vld [tilespmem:s16+$0xC0];
	_ =	sdelay $0x2  }
0xce: {  	v60 =	vbroadcast v1, $0xB;
	_ =	sdelay $0x1  }
0xcf: {  	v3 =	vsub.f32 v3, v60  }
0xd0: {  	s26 =	spop (v2sf)  }
0xd1: {  	[tilespmem:s26+$0x2000] =	vst.add.f32.msk $0xffff, v3  }
0xd2: {  	v3 =	vld [tilespmem:s16+$0xD0];
	_ =	sdelay $0x4  }
0xd3: {  	v3 =	vsub.f32 v3, v60;
	_ =	sdelay $0x1  }
0xd4: {  	[tilespmem:s26+$0x2010] =	vst.add.f32.msk $0xffff, v3  }
0xd5: {  	v3 =	vld [tilespmem:s16+$0xE0];
	_ =	sdelay $0x4  }
0xd6: {  	v3 =	vsub.f32 v3, v60;
	_ =	sdelay $0x1  }
0xd7: {  	(v2sf) =	vpush v2, $0xC;
	[tilespmem:s26+$0x2020] =	vst.add.f32.msk $0xffff, v3  }
0xd8: {  	v3 =	vld [tilespmem:s16+$0xF0];
	_ =	sdelay $0x4  }
0xd9: {  	v3 =	vsub.f32 v3, v60;
	_ =	sdelay $0x1  }
0xda: {  	[tilespmem:s26+$0x2030] =	vst.add.f32.msk $0xffff, v3  }
0xdb: {  	v3 =	vld [tilespmem:s16+$0x100];
	_ =	sdelay $0x2  }
0xdc: {  	v61 =	vbroadcast v1, $0xC;
	_ =	sdelay $0x1  }
0xdd: {  	v3 =	vsub.f32 v3, v61  }
0xde: {  	s28 =	spop (v2sf)  }
0xdf: {  	[tilespmem:s28+$0x2000] =	vst.add.f32.msk $0xffff, v3  }
0xe0: {  	v3 =	vld [tilespmem:s16+$0x110];
	_ =	sdelay $0x4  }
0xe1: {  	v3 =	vsub.f32 v3, v61;
	_ =	sdelay $0x1  }
0xe2: {  	[tilespmem:s28+$0x2010] =	vst.add.f32.msk $0xffff, v3  }
0xe3: {  	v3 =	vld [tilespmem:s16+$0x120];
	_ =	sdelay $0x4  }
0xe4: {  	v3 =	vsub.f32 v3, v61;
	_ =	sdelay $0x1  }
0xe5: {  	(v2sf) =	vpush v2, $0xD;
	[tilespmem:s28+$0x2020] =	vst.add.f32.msk $0xffff, v3  }
0xe6: {  	v3 =	vld [tilespmem:s16+$0x130];
	_ =	sdelay $0x4  }
0xe7: {  	v3 =	vsub.f32 v3, v61;
	_ =	sdelay $0x1  }
0xe8: {  	[tilespmem:s28+$0x2030] =	vst.add.f32.msk $0xffff, v3  }
0xe9: {  	v3 =	vld [tilespmem:s16+$0x140];
	_ =	sdelay $0x2  }
0xea: {  	v62 =	vbroadcast v1, $0xD;
	_ =	sdelay $0x1  }
0xeb: {  	v3 =	vsub.f32 v3, v62  }
0xec: {  	s29 =	spop (v2sf)  }
0xed: {  	[tilespmem:s29+$0x2000] =	vst.add.f32.msk $0xffff, v3  }
0xee: {  	v3 =	vld [tilespmem:s16+$0x150];
	_ =	sdelay $0x4  }
0xef: {  	v3 =	vsub.f32 v3, v62;
	_ =	sdelay $0x1  }
0xf0: {  	[tilespmem:s29+$0x2010] =	vst.add.f32.msk $0xffff, v3  }
0xf1: {  	v3 =	vld [tilespmem:s16+$0x160];
	_ =	sdelay $0x4  }
0xf2: {  	v3 =	vsub.f32 v3, v62;
	_ =	sdelay $0x1  }
0xf3: {  	(v2sf) =	vpush v2, $0xE;
	[tilespmem:s29+$0x2020] =	vst.add.f32.msk $0xffff, v3  }
0xf4: {  	v3 =	vld [tilespmem:s16+$0x170];
	_ =	sdelay $0x4  }
0xf5: {  	v3 =	vsub.f32 v3, v62;
	_ =	sdelay $0x1  }
0xf6: {  	[tilespmem:s29+$0x2030] =	vst.add.f32.msk $0xffff, v3  }
0xf7: {  	v3 =	vld [tilespmem:s16+$0x180];
	_ =	sdelay $0x2  }
0xf8: {  	v63 =	vbroadcast v1, $0xE;
	_ =	sdelay $0x1  }
0xf9: {  	v3 =	vsub.f32 v3, v63  }
0xfa: {  	s30 =	spop (v2sf)  }
0xfb: {  	[tilespmem:s30+$0x2000] =	vst.add.f32.msk $0xffff, v3  }
0xfc: {  	v3 =	vld [tilespmem:s16+$0x190];
	_ =	sdelay $0x4  }
0xfd: {  	v3 =	vsub.f32 v3, v63;
	_ =	sdelay $0x1  }
0xfe: {  	[tilespmem:s30+$0x2010] =	vst.add.f32.msk $0xffff, v3  }
0xff: {  	v3 =	vld [tilespmem:s16+$0x1A0];
	_ =	sdelay $0x4  }
0x100: {  	v3 =	vsub.f32 v3, v63;
	_ =	sdelay $0x1  }
0x101: {  	(v2sf) =	vpush v2, $0xF;
	[tilespmem:s30+$0x2020] =	vst.add.f32.msk $0xffff, v3  }
0x102: {  	v2 =	vld [tilespmem:s16+$0x1B0];
	_ =	sdelay $0x4  }
0x103: {  	v2 =	vsub.f32 v2, v63;
	_ =	sdelay $0x1  }
0x104: {  	[tilespmem:s30+$0x2030] =	vst.add.f32.msk $0xffff, v2  }
0x105: {  	v2 =	vld [tilespmem:s16+$0x1C0];
	_ =	sdelay $0x2  }
0x106: {  	v1 =	vbroadcast v1, $0xF;
	_ =	sdelay $0x1  }
0x107: {  	v2 =	vsub.f32 v2, v1  }
0x108: {  	s31 =	spop (v2sf)  }
0x109: {  	[tilespmem:s31+$0x2000] =	vst.add.f32.msk $0xffff, v2  }
0x10a: {  	v2 =	vld [tilespmem:s16+$0x1D0];
	_ =	sdelay $0x4  }
0x10b: {  	v2 =	vsub.f32 v2, v1;
	_ =	sdelay $0x1  }
0x10c: {  	[tilespmem:s31+$0x2010] =	vst.add.f32.msk $0xffff, v2  }
0x10d: {  	v2 =	vld [tilespmem:s16+$0x1E0];
	_ =	sdelay $0x4  }
0x10e: {  	v2 =	vsub.f32 v2, v1;
	_ =	sdelay $0x1  }
0x10f: {  	[tilespmem:s31+$0x2020] =	vst.add.f32.msk $0xffff, v2  }
0x110: {  	v2 =	vld [tilespmem:s16+$0x1F0];
	_ =	sdelay $0x1  }
0x111: {  	p0 =	sne.s32 s15, $0x1C0  }
.Ltmp1:
0x112: {  	_ = 	snop;
	(pc) =	sbr.rel @p0 .LBB2_4-.Ltmp1, $3  }
0x113: {  	_ = 	snop  }
0x114: {  	v1 =	vsub.f32 v2, v1;
	_ =	sdelay $0x1  }
0x115: {  	s15 =	sadd.s32 $0x40, s15;
	s16 =	sadd.s32 $0x400, s16;
	[tilespmem:s31+$0x2030] =	vst.add.f32.msk $0xffff, v1  }
0x116: {  	s14 =	sadd.s32 $0x1, s14  }
0x117: {  	p0 =	sne.s32 s14, s7  }
.Ltmp2:
0x118: {  	_ = 	snop;
	(pc) =	sbr.rel @p0 .LBB2_1-.Ltmp2, $4  }
0x119: {  	[hbm4b:s6+s8] =	stream.strided.scatter [tilespmem:s13], [sflag:$0x1], $0x1000, s9, s8, $0x38;
	[tilespmem:$0x3100] =	vst v63  }
0x11a: {  	_ =	swait.ge [sflag:s10], $0x1000  }
0x11b: {  	[sflag:s10] =	ssyncset.done $0x0  }
0x11c: {  	[sflag:s10] =	ssyncadd.s32 $0xFFFFF000  }
0x11d: {  	_ =	sfence.sel $0x180000  }
0x11e: {  	[bflag:$0x0] =	sbarrier.arrive $0xFFFF  }
0x11f: {  	p0 =	sne.s32 s0, $0x0;
	_ =	strace $0x90000047  }
0x120: {  	s0 =	sadd.s32 @!p0 $0x100000, s1;
	[bflag:$0x2] =	sbarrier.arrive $0xFFFF  }
0x121: {  	[sflag:s0] =	ssyncadd.tile.s32 @!p0 $0x1;
	_ =	shalt  }
.Lfunc_end2:
_tile_overlayer_lowered:
.L_overlay_start_2:
0x122: {  	(tag) =	ssettag $0x2  }
0x123: {  	s0 =	rddreg [dreg:$0x0];
	s2 =	stileid.u32  }
0x124: {  	s1 =	rddreg [dreg:$0x1];
	p0 =	sne.s32 s2, $0x0  }
0x125: {  	s3 =	rddreg [dreg:$0x2];
	[bflag:$0x3] =	sbarrier.arrive $0xFFFF;
	s2 =	simm.s32 @!p0 $0x1C01  }
0x126: {  	[timem:s3], [sflag:s2] =	dma.local @!p0 [hbm:s0], s1  }
0x127: {  	s0 =	simm.s32 @!p0 $0x1  }
0x128: {  	_ =	swait.ge @!p0 [sflag:s0], s1  }
0x129: {  	s1 =	ssub.s32 @!p0 $0x0, s1;
	[sflag:s0] =	ssyncset.done @!p0 $0x0  }
0x12a: {  	[sflag:s0] =	ssyncadd.s32 @!p0 s1  }
0x12b: {  	[bflag:$0x3] =	sbarrier.arrive $0xFFFF  }
0x12c: {  	_ =	shalt  }

</sc_bundles>
